<compile_context>
chip_gen: v7x
topology: tpu7x:2x2x1
jax: 0.10.2.dev20260603
libtpu: 0.0.44.dev20260713+nightly
codegen_flags: <defaults>
</compile_context>

<pallas_src>
import functools

import jax
import jax.numpy as jnp
from jax import lax
from jax.experimental import pallas as pl
from jax.experimental.pallas import tpu as pltpu
from jax.experimental.pallas import tpu_sc as plsc

S, D = 2048, 1024
NH, NKV, HD = 16, 8, 64
E, FFN = 8, 3584
EPS = 1e-5
THETA = 10000.0
BT = 256
FT = 512
NTB = S // BT
NFT = FFN // FT
HALF = HD // 2
NEG = float(jnp.finfo(jnp.float32).min)


def _qkv_body(x_ref, ln1_ref, wqkv_ref, cos_ref, sin_ref, q_ref, k_ref, v_ref):
    x = x_ref[...]
    var = jnp.mean(x * x, axis=-1, keepdims=True)
    h = (x * jax.lax.rsqrt(var + EPS) * ln1_ref[...]).astype(jnp.bfloat16)
    qkv = jnp.dot(h, wqkv_ref[...], preferred_element_type=jnp.float32)
    cos = cos_ref[...][:, None, :]
    sin = sin_ref[...][:, None, :]

    def rope(z):
        z1 = z[..., :HALF]
        z2 = z[..., HALF:]
        return jnp.concatenate([z1 * cos - z2 * sin, z2 * cos + z1 * sin], axis=-1)

    q = rope(qkv[:, : NH * HD].reshape(BT, NH, HD))
    k = rope(qkv[:, NH * HD : (NH + NKV) * HD].reshape(BT, NKV, HD))
    v = qkv[:, (NH + NKV) * HD :].reshape(BT, NKV, HD)
    q_ref[...] = q.transpose(1, 0, 2).astype(jnp.bfloat16)
    k_ref[...] = k.transpose(1, 0, 2).astype(jnp.bfloat16)
    v_ref[...] = v.transpose(1, 0, 2).astype(jnp.bfloat16)


def _attn_body(q_ref, k_ref, v_ref, o_ref):
    i = pl.program_id(1)
    q = q_ref[0]
    s = jax.lax.dot_general(q, k_ref[0], (((1,), (1,)), ((), ())),
                            preferred_element_type=jnp.float32)
    s = s * (HD ** -0.5)
    row = i * BT + jax.lax.broadcasted_iota(jnp.int32, (BT, S), 0)
    col = jax.lax.broadcasted_iota(jnp.int32, (BT, S), 1)
    s = jnp.where(row >= col, s, NEG)
    m = jnp.max(s, axis=-1, keepdims=True)
    p = jnp.exp(s - m)
    l = jnp.sum(p, axis=-1, keepdims=True)
    a = (p / l).astype(jnp.bfloat16)
    o_ref[0] = jnp.dot(a, v_ref[0], preferred_element_type=jnp.float32).astype(jnp.bfloat16)


def _ores_body(ao_ref, wo_ref, x_ref, ln2_ref, wg_ref, t_ref, sel_ref, tw_ref):
    ao = ao_ref[...].transpose(1, 0, 2).reshape(BT, NH * HD)
    o = jnp.dot(ao, wo_ref[...], preferred_element_type=jnp.float32)
    r = o + x_ref[...]
    var = jnp.mean(r * r, axis=-1, keepdims=True)
    t = r * jax.lax.rsqrt(var + EPS) * ln2_ref[...]
    t_ref[...] = t
    logits = jnp.dot(t.astype(jnp.bfloat16), wg_ref[...],
                     preferred_element_type=jnp.float32)
    m = jnp.max(logits, axis=-1, keepdims=True)
    ex = jnp.exp(logits - m)
    rw = ex / jnp.sum(ex, axis=-1, keepdims=True)
    idx = jax.lax.broadcasted_iota(jnp.int32, (BT, E), 1)
    m0 = jnp.max(rw, axis=-1, keepdims=True)
    i0 = jnp.min(jnp.where(rw == m0, idx, E), axis=-1, keepdims=True)
    rw1 = jnp.where(idx == i0, -1.0, rw)
    m1 = jnp.max(rw1, axis=-1, keepdims=True)
    i1 = jnp.min(jnp.where(rw1 == m1, idx, E), axis=-1, keepdims=True)
    sw = m0 + m1
    sel_ref[...] = jnp.concatenate([i0, i1], axis=1)
    tw_ref[...] = jnp.concatenate([m0 / sw, m1 / sw], axis=1)


BR = 128
NP = 2 * S + E * BR
NBLK = NP // BR
FT2 = 1792
NFT2 = FFN // FT2


def _plan_body(sel_ref, pos_ref, be_ref, nbu_ref):
    sel = sel_ref[...]
    ide = jax.lax.broadcasted_iota(jnp.int32, (S, E), 1)
    oh0 = (sel[:, 0:1] == ide).astype(jnp.float32)
    oh1 = (sel[:, 1:2] == ide).astype(jnp.float32)
    oh = oh0 + oh1
    tri = (jax.lax.broadcasted_iota(jnp.int32, (256, 256), 0)
           > jax.lax.broadcasted_iota(jnp.int32, (256, 256), 1)).astype(jnp.bfloat16)
    chunks = []
    carry = jnp.zeros((1, E), jnp.float32)
    for c in range(S // 256):
        blk = oh[c * 256:(c + 1) * 256]
        cs = jnp.dot(tri, blk.astype(jnp.bfloat16), preferred_element_type=jnp.float32)
        chunks.append(cs + carry)
        carry = carry + jnp.sum(blk, axis=0, keepdims=True)
    C = jnp.concatenate(chunks, axis=0)
    counts = carry
    nb = jnp.floor((counts + (BR - 1)) / BR)
    triu8 = (jax.lax.broadcasted_iota(jnp.int32, (E, E), 0)
             <= jax.lax.broadcasted_iota(jnp.int32, (E, E), 1)).astype(jnp.bfloat16)
    incl = jnp.dot(nb.astype(jnp.bfloat16), triu8, preferred_element_type=jnp.float32)
    poff = (incl - nb) * BR
    pos0 = jnp.sum(oh0 * (poff + C), axis=-1, keepdims=True)
    pos1 = jnp.sum(oh1 * (poff + C), axis=-1, keepdims=True)
    pos_ref[...] = jnp.concatenate([pos0, pos1], axis=1).astype(jnp.int32)
    bi = jax.lax.broadcasted_iota(jnp.int32, (1, 64), 1).astype(jnp.float32)
    be_raw = jnp.sum((bi >= incl.reshape(E, 1)).astype(jnp.float32), axis=0, keepdims=True)
    be_ref[...] = jnp.minimum(be_raw, float(E - 1)).astype(jnp.int32)
    nbu_ref[...] = incl[0:1, E - 1:E].astype(jnp.int32)


def _gmm_a_body(be_ref, nbu_ref, xs_ref, w1_ref, w3_ref, h_ref):
    i = pl.program_id(1)

    @pl.when(i < nbu_ref[0])
    def _():
        x = xs_ref[...].astype(jnp.bfloat16)
        a = jnp.dot(x, w1_ref[0].astype(jnp.bfloat16), preferred_element_type=jnp.float32)
        a = jax.nn.silu(a)
        b = jnp.dot(x, w3_ref[0].astype(jnp.bfloat16), preferred_element_type=jnp.float32)
        h_ref[...] = (a * b).astype(jnp.bfloat16)


def _gmm_b_body(be_ref, nbu_ref, h_ref, w2_ref, o_ref):
    i = pl.program_id(0)

    @pl.when(i < nbu_ref[0])
    def _():
        o_ref[...] = jnp.dot(h_ref[...], w2_ref[0].astype(jnp.bfloat16),
                             preferred_element_type=jnp.float32)


_SC_NC = 2
_SC_NS = 16
_SC_NW = _SC_NC * _SC_NS
_RPW = S // _SC_NW


def _disp_body(x_hbm, p0_hbm, p1_hbm, xs_hbm, idx_v, rows_v, sem):
    wid = lax.axis_index("s") * _SC_NC + lax.axis_index("c")
    base = wid * _RPW
    pltpu.sync_copy(x_hbm.at[pl.ds(base, _RPW)], rows_v)
    pltpu.sync_copy(p0_hbm.at[pl.ds(base, _RPW)], idx_v)
    pltpu.async_copy(rows_v, xs_hbm.at[idx_v], sem).wait()
    pltpu.sync_copy(p1_hbm.at[pl.ds(base, _RPW)], idx_v)
    pltpu.async_copy(rows_v, xs_hbm.at[idx_v], sem).wait()


def _gath_body(o_hbm, p0_hbm, p1_hbm, g0_hbm, g1_hbm, idx_v, rows_v, sem):
    wid = lax.axis_index("s") * _SC_NC + lax.axis_index("c")
    base = wid * _RPW
    pltpu.sync_copy(p0_hbm.at[pl.ds(base, _RPW)], idx_v)
    pltpu.async_copy(o_hbm.at[idx_v], rows_v, sem).wait()
    pltpu.sync_copy(rows_v, g0_hbm.at[pl.ds(base, _RPW)])
    pltpu.sync_copy(p1_hbm.at[pl.ds(base, _RPW)], idx_v)
    pltpu.async_copy(o_hbm.at[idx_v], rows_v, sem).wait()
    pltpu.sync_copy(rows_v, g1_hbm.at[pl.ds(base, _RPW)])


def _combine_body(g0_ref, g1_ref, tw_ref, out_ref):
    tw = tw_ref[...]
    out_ref[...] = tw[:, 0:1] * g0_ref[...] + tw[:, 1:2] * g1_ref[...]


def kernel(hidden_states, positions, ln1_w, wq, wk, wv, wo, ln2_w, wg, w1, w2, w3):
    x = hidden_states.reshape(S, D)
    inv_freq = 1.0 / (THETA ** (jnp.arange(HALF, dtype=jnp.float32) * 2.0 / HD))
    ang = positions.reshape(S).astype(jnp.float32)[:, None] * inv_freq[None, :]
    cos = jnp.cos(ang)
    sin = jnp.sin(ang)
    wqkv = jnp.concatenate([wq, wk, wv], axis=1).astype(jnp.bfloat16)

    q, k, v = pl.pallas_call(
        _qkv_body,
        grid=(NTB,),
        in_specs=[
            pl.BlockSpec((BT, D), lambda i: (i, 0)),
            pl.BlockSpec((1, D), lambda i: (0, 0)),
            pl.BlockSpec((D, (NH + 2 * NKV) * HD), lambda i: (0, 0)),
            pl.BlockSpec((BT, HALF), lambda i: (i, 0)),
            pl.BlockSpec((BT, HALF), lambda i: (i, 0)),
        ],
        out_specs=[
            pl.BlockSpec((NH, BT, HD), lambda i: (0, i, 0)),
            pl.BlockSpec((NKV, BT, HD), lambda i: (0, i, 0)),
            pl.BlockSpec((NKV, BT, HD), lambda i: (0, i, 0)),
        ],
        out_shape=[
            jax.ShapeDtypeStruct((NH, S, HD), jnp.bfloat16),
            jax.ShapeDtypeStruct((NKV, S, HD), jnp.bfloat16),
            jax.ShapeDtypeStruct((NKV, S, HD), jnp.bfloat16),
        ],
    )(x, ln1_w.reshape(1, D), wqkv, cos, sin)

    ao = pl.pallas_call(
        _attn_body,
        grid=(NH, NTB),
        in_specs=[
            pl.BlockSpec((1, BT, HD), lambda h, i: (h, i, 0)),
            pl.BlockSpec((1, S, HD), lambda h, i: (h // 2, 0, 0)),
            pl.BlockSpec((1, S, HD), lambda h, i: (h // 2, 0, 0)),
        ],
        out_specs=pl.BlockSpec((1, BT, HD), lambda h, i: (h, i, 0)),
        out_shape=jax.ShapeDtypeStruct((NH, S, HD), jnp.bfloat16),
    )(q, k, v)

    t, sel, tw = pl.pallas_call(
        _ores_body,
        grid=(NTB,),
        in_specs=[
            pl.BlockSpec((NH, BT, HD), lambda i: (0, i, 0)),
            pl.BlockSpec((NH * HD, D), lambda i: (0, 0)),
            pl.BlockSpec((BT, D), lambda i: (i, 0)),
            pl.BlockSpec((1, D), lambda i: (0, 0)),
            pl.BlockSpec((D, E), lambda i: (0, 0)),
        ],
        out_specs=[
            pl.BlockSpec((BT, D), lambda i: (i, 0)),
            pl.BlockSpec((BT, 2), lambda i: (i, 0)),
            pl.BlockSpec((BT, 2), lambda i: (i, 0)),
        ],
        out_shape=[
            jax.ShapeDtypeStruct((S, D), jnp.float32),
            jax.ShapeDtypeStruct((S, 2), jnp.int32),
            jax.ShapeDtypeStruct((S, 2), jnp.float32),
        ],
    )(ao, wo.astype(jnp.bfloat16), x, ln2_w.reshape(1, D), wg.astype(jnp.bfloat16))

    pos, be, nbu = pl.pallas_call(
        _plan_body,
        out_shape=[
            jax.ShapeDtypeStruct((S, 2), jnp.int32),
            jax.ShapeDtypeStruct((1, 64), jnp.int32),
            jax.ShapeDtypeStruct((1, 1), jnp.int32),
        ],
    )(sel)

    pos0 = pos[:, 0]
    pos1 = pos[:, 1]
    xs = pl.kernel(
        _disp_body,
        mesh=plsc.VectorSubcoreMesh(core_axis_name="c", subcore_axis_name="s"),
        out_type=jax.ShapeDtypeStruct((NP, D), jnp.float32),
        scratch_types=[
            pltpu.VMEM((_RPW,), jnp.int32),
            pltpu.VMEM((_RPW, D), jnp.float32),
            pltpu.SemaphoreType.DMA,
        ],
    )(t, pos0, pos1)

    h = pl.pallas_call(
        _gmm_a_body,
        grid_spec=pltpu.PrefetchScalarGridSpec(
            num_scalar_prefetch=2,
            grid=(NFT2, NBLK),
            in_specs=[
                pl.BlockSpec((BR, D), lambda f, i, be_r, nbu_r: (i, 0)),
                pl.BlockSpec((1, D, FT2), lambda f, i, be_r, nbu_r: (be_r[i], 0, f)),
                pl.BlockSpec((1, D, FT2), lambda f, i, be_r, nbu_r: (be_r[i], 0, f)),
            ],
            out_specs=pl.BlockSpec((BR, FT2), lambda f, i, be_r, nbu_r: (i, f)),
        ),
        out_shape=jax.ShapeDtypeStruct((NP, FFN), jnp.bfloat16),
    )(be.reshape(64), nbu.reshape(1), xs, w1, w3)

    o = pl.pallas_call(
        _gmm_b_body,
        grid_spec=pltpu.PrefetchScalarGridSpec(
            num_scalar_prefetch=2,
            grid=(NBLK,),
            in_specs=[
                pl.BlockSpec((BR, FFN), lambda i, be_r, nbu_r: (i, 0)),
                pl.BlockSpec((1, FFN, D), lambda i, be_r, nbu_r: (be_r[i], 0, 0)),
            ],
            out_specs=pl.BlockSpec((BR, D), lambda i, be_r, nbu_r: (i, 0)),
        ),
        out_shape=jax.ShapeDtypeStruct((NP, D), jnp.float32),
    )(be.reshape(64), nbu.reshape(1), h, w2)

    g0, g1 = pl.kernel(
        _gath_body,
        mesh=plsc.VectorSubcoreMesh(core_axis_name="c", subcore_axis_name="s"),
        out_type=[
            jax.ShapeDtypeStruct((S, D), jnp.float32),
            jax.ShapeDtypeStruct((S, D), jnp.float32),
        ],
        scratch_types=[
            pltpu.VMEM((_RPW,), jnp.int32),
            pltpu.VMEM((_RPW, D), jnp.float32),
            pltpu.SemaphoreType.DMA,
        ],
    )(o, pos0, pos1)

    out = pl.pallas_call(
        _combine_body,
        grid=(NTB,),
        in_specs=[
            pl.BlockSpec((BT, D), lambda i: (i, 0)),
            pl.BlockSpec((BT, D), lambda i: (i, 0)),
            pl.BlockSpec((BT, 2), lambda i: (i, 0)),
        ],
        out_specs=pl.BlockSpec((BT, D), lambda i: (i, 0)),
        out_shape=jax.ShapeDtypeStruct((S, D), jnp.float32),
    )(g0, g1, tw)

    return out.reshape(1, S, D)

# --- scband reference (transcript-rebuilt; emitter-appended) ---
"""Pipeline reference for scband-mixtral-decoder-layer-67293547594309 (READ-ONLY COPY).

The authoritative reference and input builder live on the scoring server;
editing this copy changes nothing except your own understanding.
"""

import jax, jax.numpy as jnp
import numpy as np

B, S, D = 1, 2048, 1024
NH, NKV, HD = 16, 8, 64
E, TOPK, FFN = 8, 2, 3584
EPS = 1e-5
THETA = 10000.0


def rmsnorm(x, w):
    var = jnp.mean(x * x, axis=-1, keepdims=True)
    return x * jax.lax.rsqrt(var + EPS) * w


def apply_rope(x, positions):
    hd = x.shape[-1]
    half = hd // 2
    inv_freq = 1.0 / (THETA ** (jnp.arange(half, dtype=jnp.float32) * 2.0 / hd))
    ang = positions.astype(jnp.float32)[..., None] * inv_freq
    cos = jnp.cos(ang)[:, :, None, :]
    sin = jnp.sin(ang)[:, :, None, :]
    x1 = x[..., :half]
    x2 = x[..., half:]
    return jnp.concatenate([x1 * cos - x2 * sin, x2 * cos + x1 * sin], axis=-1)


def _forward(hidden_states, positions, ln1_w, wq, wk, wv, wo, ln2_w, wg, w1, w2, w3):
    # residual = None path of MixtralDecoderLayer
    residual = hidden_states
    h = rmsnorm(hidden_states, ln1_w)
    # self attention (prefill, causal)
    q = (h @ wq).reshape(B, S, NH, HD)
    k = (h @ wk).reshape(B, S, NKV, HD)
    v = (h @ wv).reshape(B, S, NKV, HD)
    q = apply_rope(q, positions)
    k = apply_rope(k, positions)
    rep = NH // NKV
    k = jnp.repeat(k, rep, axis=2)
    v = jnp.repeat(v, rep, axis=2)
    q = q.transpose(0, 2, 1, 3)
    k = k.transpose(0, 2, 1, 3)
    v = v.transpose(0, 2, 1, 3)
    scores = jnp.einsum('bhqd,bhkd->bhqk', q, k) * (HD ** -0.5)
    mask = jnp.tril(jnp.ones((S, S), dtype=bool))
    scores = jnp.where(mask[None, None, :, :], scores, jnp.finfo(scores.dtype).min)
    attn = jax.nn.softmax(scores, axis=-1)
    out = jnp.einsum('bhqk,bhkd->bhqd', attn, v)
    out = out.transpose(0, 2, 1, 3).reshape(B, S, NH * HD)
    attn_out = out @ wo
    # fused add-RMSNorm (post_attention_layernorm)
    residual = attn_out + residual
    h = rmsnorm(residual, ln2_w)
    # block sparse MoE (dense masked formulation as in reference)
    tokens = h.reshape(-1, D)
    logits = tokens @ wg
    rw = jax.nn.softmax(logits.astype(jnp.float32), axis=-1)
    topw, sel = jax.lax.top_k(rw, TOPK)
    topw = topw / jnp.sum(topw, axis=-1, keepdims=True)
    final = jnp.zeros_like(tokens)
    for e in range(E):
        ew = jnp.sum(topw * (sel == e).astype(topw.dtype), axis=-1, keepdims=True)
        a = jax.nn.silu(tokens @ w1[e])
        b = tokens @ w3[e]
        eo = (a * b) @ w2[e]
        final = final + eo * ew
    return final.reshape(B, S, D)


def setup_inputs(seed: int = 0):
    key = jax.random.key(seed)
    ks = jax.random.split(key, 12)
    std = 0.02
    return {
        'hidden_states': jax.random.normal(ks[0], (B, S, D), dtype=jnp.float32),
        'positions': jnp.arange(B * S, dtype=jnp.int32).reshape(B, S),
        'ln1_w': jnp.ones((D,), dtype=jnp.float32),
        'wq': jax.random.normal(ks[1], (D, NH * HD), dtype=jnp.float32) * std,
        'wk': jax.random.normal(ks[2], (D, NKV * HD), dtype=jnp.float32) * std,
        'wv': jax.random.normal(ks[3], (D, NKV * HD), dtype=jnp.float32) * std,
        'wo': jax.random.normal(ks[4], (NH * HD, D), dtype=jnp.float32) * std,
        'ln2_w': jnp.ones((D,), dtype=jnp.float32),
        'wg': jax.random.normal(ks[5], (D, E), dtype=jnp.float32) * std,
        'w1': jax.random.normal(ks[6], (E, D, FFN), dtype=jnp.float32) * std,
        'w3': jax.random.normal(ks[7], (E, D, FFN), dtype=jnp.float32) * std,
        'w2': jax.random.normal(ks[8], (E, FFN, D), dtype=jnp.float32) * std,
    }


def reference(hidden_states, positions, ln1_w, wq, wk, wv, wo, ln2_w, wg, w1, w2, w3):
    return _forward(hidden_states, positions, ln1_w, wq, wk, wv, wo, ln2_w, wg, w1, w2, w3)

if __name__ == "__main__":
    import jax
    _d = setup_inputs()
    print(jax.jit(kernel)(*tuple(_d.values())))

</pallas_src>

<mosaic_0001>
#map = affine_map<(d0, d1) -> (0, 0)>
#map1 = affine_map<(d0, d1) -> (0)>
module attributes {stable_mosaic.version = 14 : i64} {
  func.func @_disp_body(%arg0: i32, %arg1: i32, %arg2: memref<2048x1024xf32, #tpu.memory_space<hbm>>, %arg3: memref<2048xi32, #tpu.memory_space<hbm>>, %arg4: memref<2048xi32, #tpu.memory_space<hbm>>, %arg5: memref<5120x1024xf32, #tpu.memory_space<hbm>>, %arg6: memref<64xi32, #tpu.memory_space<vmem>>, %arg7: memref<64x1024xf32, #tpu.memory_space<vmem>>, %arg8: memref<!tpu.dma_semaphore, #tpu.memory_space<semaphore_mem>>) attributes {dimension_semantics = [#tpu.dimension_semantics<core_parallel>, #tpu.dimension_semantics<subcore_parallel>], iteration_bounds = array<i64: 2, 16>, scalar_prefetch = 0 : i64, scratch_operands = 3 : i64, tpu.core_type = #tpu.core_type<sc_vector_subcore>, window_params = [{transform_indices = #map}, {transform_indices = #map1}, {transform_indices = #map1}, {transform_indices = #map}]} {
    %mul3A = arith.constant 2 : i32
    %mul3A_0 = arith.muli %arg1, %mul3A : i32
    %add3A = arith.addi %mul3A_0, %arg0 : i32
    %mul3A_1 = arith.constant 64 : i32
    %mul3A_2 = arith.muli %add3A, %mul3A_1 : i32
    "tpu.region"() ({
      %run_scoped3A = tpu.sem_alloc : memref<!tpu.dma_semaphore, #tpu.memory_space<semaphore_mem>>
      %dma_start3A_13 = arith.constant 0 : i32
      %dma_start3A_14 = tpu.memref_slice %arg2[%mul3A_2, %dma_start3A_13] : memref<2048x1024xf32, #tpu.memory_space<hbm>> -> memref<64x1024xf32, #tpu.memory_space<hbm>>
      %dma_start3A_15 = arith.constant 0 : i32
      %dma_start3A_16 = tpu.memref_slice %arg2[%mul3A_2, %dma_start3A_15] : memref<2048x1024xf32, #tpu.memory_space<hbm>> -> memref<64x1024xf32, #tpu.memory_space<hbm>>
      tpu.enqueue_dma source(%dma_start3A_16 : memref<64x1024xf32, #tpu.memory_space<hbm>>) target(%arg7 : memref<64x1024xf32, #tpu.memory_space<vmem>>) target_semaphore(%run_scoped3A : memref<!tpu.dma_semaphore, #tpu.memory_space<semaphore_mem>>)
      %dma_wait3A_17 = arith.constant 0 : i32
      %dma_wait3A_18 = tpu.memref_slice %arg2[%mul3A_2, %dma_wait3A_17] : memref<2048x1024xf32, #tpu.memory_space<hbm>> -> memref<64x1024xf32, #tpu.memory_space<hbm>>
      %dma_wait3A_19 = arith.constant 0 : i32
      %dma_wait3A_20 = tpu.memref_slice %arg2[%mul3A_2, %dma_wait3A_19] : memref<2048x1024xf32, #tpu.memory_space<hbm>> -> memref<64x1024xf32, #tpu.memory_space<hbm>>
      tpu.wait_dma2 semaphore(%run_scoped3A : memref<!tpu.dma_semaphore, #tpu.memory_space<semaphore_mem>>) src(%dma_wait3A_20 : memref<64x1024xf32, #tpu.memory_space<hbm>>) dst(%arg7 : memref<64x1024xf32, #tpu.memory_space<vmem>>)
      tpu.yield
    }) : () -> ()
    "tpu.region"() ({
      %run_scoped3A = tpu.sem_alloc : memref<!tpu.dma_semaphore, #tpu.memory_space<semaphore_mem>>
      %dma_start3A_13 = tpu.memref_slice %arg3[%mul3A_2] : memref<2048xi32, #tpu.memory_space<hbm>> -> memref<64xi32, #tpu.memory_space<hbm>>
      %dma_start3A_14 = tpu.memref_slice %arg3[%mul3A_2] : memref<2048xi32, #tpu.memory_space<hbm>> -> memref<64xi32, #tpu.memory_space<hbm>>
      tpu.enqueue_dma source(%dma_start3A_14 : memref<64xi32, #tpu.memory_space<hbm>>) target(%arg6 : memref<64xi32, #tpu.memory_space<vmem>>) target_semaphore(%run_scoped3A : memref<!tpu.dma_semaphore, #tpu.memory_space<semaphore_mem>>)
      %dma_wait3A_15 = tpu.memref_slice %arg3[%mul3A_2] : memref<2048xi32, #tpu.memory_space<hbm>> -> memref<64xi32, #tpu.memory_space<hbm>>
      %dma_wait3A_16 = tpu.memref_slice %arg3[%mul3A_2] : memref<2048xi32, #tpu.memory_space<hbm>> -> memref<64xi32, #tpu.memory_space<hbm>>
      tpu.wait_dma2 semaphore(%run_scoped3A : memref<!tpu.dma_semaphore, #tpu.memory_space<semaphore_mem>>) src(%dma_wait3A_16 : memref<64xi32, #tpu.memory_space<hbm>>) dst(%arg6 : memref<64xi32, #tpu.memory_space<vmem>>)
      tpu.yield
    }) : () -> ()
    %dma_start3A = arith.constant 0 : i32
    %dma_start3A_3 = arith.constant 0 : i32
    %dma_start3A_4 = tpu.memref_slice %arg5[%dma_start3A, %dma_start3A_3] : memref<5120x1024xf32, #tpu.memory_space<hbm>> -> memref<5120x1024xf32, #tpu.memory_space<hbm>>
    tpu.enqueue_indirect_dma source(%arg7 : memref<64x1024xf32, #tpu.memory_space<vmem>>) target(%dma_start3A_4 : memref<5120x1024xf32, #tpu.memory_space<hbm>>) offsets(%arg6 : memref<64xi32, #tpu.memory_space<vmem>>) semaphore(%arg8 : memref<!tpu.dma_semaphore, #tpu.memory_space<semaphore_mem>>)
    %dma_wait3A = arith.constant 0 : i32
    %dma_wait3A_5 = arith.constant 0 : i32
    %dma_wait3A_6 = tpu.memref_slice %arg5[%dma_wait3A, %dma_wait3A_5] : memref<5120x1024xf32, #tpu.memory_space<hbm>> -> memref<5120x1024xf32, #tpu.memory_space<hbm>>
    tpu.wait_indirect_dma semaphore(%arg8 : memref<!tpu.dma_semaphore, #tpu.memory_space<semaphore_mem>>) src(%arg7 : memref<64x1024xf32, #tpu.memory_space<vmem>>) dst(%dma_wait3A_6 : memref<5120x1024xf32, #tpu.memory_space<hbm>>)
    "tpu.region"() ({
      %run_scoped3A = tpu.sem_alloc : memref<!tpu.dma_semaphore, #tpu.memory_space<semaphore_mem>>
      %dma_start3A_13 = tpu.memref_slice %arg4[%mul3A_2] : memref<2048xi32, #tpu.memory_space<hbm>> -> memref<64xi32, #tpu.memory_space<hbm>>
      %dma_start3A_14 = tpu.memref_slice %arg4[%mul3A_2] : memref<2048xi32, #tpu.memory_space<hbm>> -> memref<64xi32, #tpu.memory_space<hbm>>
      tpu.enqueue_dma source(%dma_start3A_14 : memref<64xi32, #tpu.memory_space<hbm>>) target(%arg6 : memref<64xi32, #tpu.memory_space<vmem>>) target_semaphore(%run_scoped3A : memref<!tpu.dma_semaphore, #tpu.memory_space<semaphore_mem>>)
      %dma_wait3A_15 = tpu.memref_slice %arg4[%mul3A_2] : memref<2048xi32, #tpu.memory_space<hbm>> -> memref<64xi32, #tpu.memory_space<hbm>>
      %dma_wait3A_16 = tpu.memref_slice %arg4[%mul3A_2] : memref<2048xi32, #tpu.memory_space<hbm>> -> memref<64xi32, #tpu.memory_space<hbm>>
      tpu.wait_dma2 semaphore(%run_scoped3A : memref<!tpu.dma_semaphore, #tpu.memory_space<semaphore_mem>>) src(%dma_wait3A_16 : memref<64xi32, #tpu.memory_space<hbm>>) dst(%arg6 : memref<64xi32, #tpu.memory_space<vmem>>)
      tpu.yield
    }) : () -> ()
    %dma_start3A_7 = arith.constant 0 : i32
    %dma_start3A_8 = arith.constant 0 : i32
    %dma_start3A_9 = tpu.memref_slice %arg5[%dma_start3A_7, %dma_start3A_8] : memref<5120x1024xf32, #tpu.memory_space<hbm>> -> memref<5120x1024xf32, #tpu.memory_space<hbm>>
    tpu.enqueue_indirect_dma source(%arg7 : memref<64x1024xf32, #tpu.memory_space<vmem>>) target(%dma_start3A_9 : memref<5120x1024xf32, #tpu.memory_space<hbm>>) offsets(%arg6 : memref<64xi32, #tpu.memory_space<vmem>>) semaphore(%arg8 : memref<!tpu.dma_semaphore, #tpu.memory_space<semaphore_mem>>)
    %dma_wait3A_10 = arith.constant 0 : i32
    %dma_wait3A_11 = arith.constant 0 : i32
    %dma_wait3A_12 = tpu.memref_slice %arg5[%dma_wait3A_10, %dma_wait3A_11] : memref<5120x1024xf32, #tpu.memory_space<hbm>> -> memref<5120x1024xf32, #tpu.memory_space<hbm>>
    tpu.wait_indirect_dma semaphore(%arg8 : memref<!tpu.dma_semaphore, #tpu.memory_space<semaphore_mem>>) src(%arg7 : memref<64x1024xf32, #tpu.memory_space<vmem>>) dst(%dma_wait3A_12 : memref<5120x1024xf32, #tpu.memory_space<hbm>>)
    return
  }
}

#map = affine_map<(d0, d1) -> (0, 0)>
#map1 = affine_map<(d0, d1) -> (0)>
module attributes {stable_mosaic.version = 14 : i64} {
  func.func @_gath_body(%arg0: i32, %arg1: i32, %arg2: memref<5120x1024xf32, #tpu.memory_space<hbm>>, %arg3: memref<2048xi32, #tpu.memory_space<hbm>>, %arg4: memref<2048xi32, #tpu.memory_space<hbm>>, %arg5: memref<2048x1024xf32, #tpu.memory_space<hbm>>, %arg6: memref<2048x1024xf32, #tpu.memory_space<hbm>>, %arg7: memref<64xi32, #tpu.memory_space<vmem>>, %arg8: memref<64x1024xf32, #tpu.memory_space<vmem>>, %arg9: memref<!tpu.dma_semaphore, #tpu.memory_space<semaphore_mem>>) attributes {dimension_semantics = [#tpu.dimension_semantics<core_parallel>, #tpu.dimension_semantics<subcore_parallel>], iteration_bounds = array<i64: 2, 16>, scalar_prefetch = 0 : i64, scratch_operands = 3 : i64, tpu.core_type = #tpu.core_type<sc_vector_subcore>, window_params = [{transform_indices = #map}, {transform_indices = #map1}, {transform_indices = #map1}, {transform_indices = #map}, {transform_indices = #map}]} {
    %mul3A = arith.constant 2 : i32
    %mul3A_0 = arith.muli %arg1, %mul3A : i32
    %add3A = arith.addi %mul3A_0, %arg0 : i32
    %mul3A_1 = arith.constant 64 : i32
    %mul3A_2 = arith.muli %add3A, %mul3A_1 : i32
    "tpu.region"() ({
      %run_scoped3A = tpu.sem_alloc : memref<!tpu.dma_semaphore, #tpu.memory_space<semaphore_mem>>
      %dma_start3A_13 = tpu.memref_slice %arg3[%mul3A_2] : memref<2048xi32, #tpu.memory_space<hbm>> -> memref<64xi32, #tpu.memory_space<hbm>>
      %dma_start3A_14 = tpu.memref_slice %arg3[%mul3A_2] : memref<2048xi32, #tpu.memory_space<hbm>> -> memref<64xi32, #tpu.memory_space<hbm>>
      tpu.enqueue_dma source(%dma_start3A_14 : memref<64xi32, #tpu.memory_space<hbm>>) target(%arg7 : memref<64xi32, #tpu.memory_space<vmem>>) target_semaphore(%run_scoped3A : memref<!tpu.dma_semaphore, #tpu.memory_space<semaphore_mem>>)
      %dma_wait3A_15 = tpu.memref_slice %arg3[%mul3A_2] : memref<2048xi32, #tpu.memory_space<hbm>> -> memref<64xi32, #tpu.memory_space<hbm>>
      %dma_wait3A_16 = tpu.memref_slice %arg3[%mul3A_2] : memref<2048xi32, #tpu.memory_space<hbm>> -> memref<64xi32, #tpu.memory_space<hbm>>
      tpu.wait_dma2 semaphore(%run_scoped3A : memref<!tpu.dma_semaphore, #tpu.memory_space<semaphore_mem>>) src(%dma_wait3A_16 : memref<64xi32, #tpu.memory_space<hbm>>) dst(%arg7 : memref<64xi32, #tpu.memory_space<vmem>>)
      tpu.yield
    }) : () -> ()
    %dma_start3A = arith.constant 0 : i32
    %dma_start3A_3 = arith.constant 0 : i32
    %dma_start3A_4 = tpu.memref_slice %arg2[%dma_start3A, %dma_start3A_3] : memref<5120x1024xf32, #tpu.memory_space<hbm>> -> memref<5120x1024xf32, #tpu.memory_space<hbm>>
    tpu.enqueue_indirect_dma source(%dma_start3A_4 : memref<5120x1024xf32, #tpu.memory_space<hbm>>) target(%arg8 : memref<64x1024xf32, #tpu.memory_space<vmem>>) offsets(%arg7 : memref<64xi32, #tpu.memory_space<vmem>>) semaphore(%arg9 : memref<!tpu.dma_semaphore, #tpu.memory_space<semaphore_mem>>)
    %dma_wait3A = arith.constant 0 : i32
    %dma_wait3A_5 = arith.constant 0 : i32
    %dma_wait3A_6 = tpu.memref_slice %arg2[%dma_wait3A, %dma_wait3A_5] : memref<5120x1024xf32, #tpu.memory_space<hbm>> -> memref<5120x1024xf32, #tpu.memory_space<hbm>>
    tpu.wait_indirect_dma semaphore(%arg9 : memref<!tpu.dma_semaphore, #tpu.memory_space<semaphore_mem>>) src(%dma_wait3A_6 : memref<5120x1024xf32, #tpu.memory_space<hbm>>) dst(%arg8 : memref<64x1024xf32, #tpu.memory_space<vmem>>)
    "tpu.region"() ({
      %run_scoped3A = tpu.sem_alloc : memref<!tpu.dma_semaphore, #tpu.memory_space<semaphore_mem>>
      %dma_start3A_13 = arith.constant 0 : i32
      %dma_start3A_14 = tpu.memref_slice %arg5[%mul3A_2, %dma_start3A_13] : memref<2048x1024xf32, #tpu.memory_space<hbm>> -> memref<64x1024xf32, #tpu.memory_space<hbm>>
      %dma_start3A_15 = arith.constant 0 : i32
      %dma_start3A_16 = tpu.memref_slice %arg5[%mul3A_2, %dma_start3A_15] : memref<2048x1024xf32, #tpu.memory_space<hbm>> -> memref<64x1024xf32, #tpu.memory_space<hbm>>
      tpu.enqueue_dma source(%arg8 : memref<64x1024xf32, #tpu.memory_space<vmem>>) target(%dma_start3A_16 : memref<64x1024xf32, #tpu.memory_space<hbm>>) target_semaphore(%run_scoped3A : memref<!tpu.dma_semaphore, #tpu.memory_space<semaphore_mem>>)
      %dma_wait3A_17 = arith.constant 0 : i32
      %dma_wait3A_18 = tpu.memref_slice %arg5[%mul3A_2, %dma_wait3A_17] : memref<2048x1024xf32, #tpu.memory_space<hbm>> -> memref<64x1024xf32, #tpu.memory_space<hbm>>
      %dma_wait3A_19 = arith.constant 0 : i32
      %dma_wait3A_20 = tpu.memref_slice %arg5[%mul3A_2, %dma_wait3A_19] : memref<2048x1024xf32, #tpu.memory_space<hbm>> -> memref<64x1024xf32, #tpu.memory_space<hbm>>
      tpu.wait_dma2 semaphore(%run_scoped3A : memref<!tpu.dma_semaphore, #tpu.memory_space<semaphore_mem>>) src(%arg8 : memref<64x1024xf32, #tpu.memory_space<vmem>>) dst(%dma_wait3A_20 : memref<64x1024xf32, #tpu.memory_space<hbm>>)
      tpu.yield
    }) : () -> ()
    "tpu.region"() ({
      %run_scoped3A = tpu.sem_alloc : memref<!tpu.dma_semaphore, #tpu.memory_space<semaphore_mem>>
      %dma_start3A_13 = tpu.memref_slice %arg4[%mul3A_2] : memref<2048xi32, #tpu.memory_space<hbm>> -> memref<64xi32, #tpu.memory_space<hbm>>
      %dma_start3A_14 = tpu.memref_slice %arg4[%mul3A_2] : memref<2048xi32, #tpu.memory_space<hbm>> -> memref<64xi32, #tpu.memory_space<hbm>>
      tpu.enqueue_dma source(%dma_start3A_14 : memref<64xi32, #tpu.memory_space<hbm>>) target(%arg7 : memref<64xi32, #tpu.memory_space<vmem>>) target_semaphore(%run_scoped3A : memref<!tpu.dma_semaphore, #tpu.memory_space<semaphore_mem>>)
      %dma_wait3A_15 = tpu.memref_slice %arg4[%mul3A_2] : memref<2048xi32, #tpu.memory_space<hbm>> -> memref<64xi32, #tpu.memory_space<hbm>>
      %dma_wait3A_16 = tpu.memref_slice %arg4[%mul3A_2] : memref<2048xi32, #tpu.memory_space<hbm>> -> memref<64xi32, #tpu.memory_space<hbm>>
      tpu.wait_dma2 semaphore(%run_scoped3A : memref<!tpu.dma_semaphore, #tpu.memory_space<semaphore_mem>>) src(%dma_wait3A_16 : memref<64xi32, #tpu.memory_space<hbm>>) dst(%arg7 : memref<64xi32, #tpu.memory_space<vmem>>)
      tpu.yield
    }) : () -> ()
    %dma_start3A_7 = arith.constant 0 : i32
    %dma_start3A_8 = arith.constant 0 : i32
    %dma_start3A_9 = tpu.memref_slice %arg2[%dma_start3A_7, %dma_start3A_8] : memref<5120x1024xf32, #tpu.memory_space<hbm>> -> memref<5120x1024xf32, #tpu.memory_space<hbm>>
    tpu.enqueue_indirect_dma source(%dma_start3A_9 : memref<5120x1024xf32, #tpu.memory_space<hbm>>) target(%arg8 : memref<64x1024xf32, #tpu.memory_space<vmem>>) offsets(%arg7 : memref<64xi32, #tpu.memory_space<vmem>>) semaphore(%arg9 : memref<!tpu.dma_semaphore, #tpu.memory_space<semaphore_mem>>)
    %dma_wait3A_10 = arith.constant 0 : i32
    %dma_wait3A_11 = arith.constant 0 : i32
    %dma_wait3A_12 = tpu.memref_slice %arg2[%dma_wait3A_10, %dma_wait3A_11] : memref<5120x1024xf32, #tpu.memory_space<hbm>> -> memref<5120x1024xf32, #tpu.memory_space<hbm>>
    tpu.wait_indirect_dma semaphore(%arg9 : memref<!tpu.dma_semaphore, #tpu.memory_space<semaphore_mem>>) src(%dma_wait3A_12 : memref<5120x1024xf32, #tpu.memory_space<hbm>>) dst(%arg8 : memref<64x1024xf32, #tpu.memory_space<vmem>>)
    "tpu.region"() ({
      %run_scoped3A = tpu.sem_alloc : memref<!tpu.dma_semaphore, #tpu.memory_space<semaphore_mem>>
      %dma_start3A_13 = arith.constant 0 : i32
      %dma_start3A_14 = tpu.memref_slice %arg6[%mul3A_2, %dma_start3A_13] : memref<2048x1024xf32, #tpu.memory_space<hbm>> -> memref<64x1024xf32, #tpu.memory_space<hbm>>
      %dma_start3A_15 = arith.constant 0 : i32
      %dma_start3A_16 = tpu.memref_slice %arg6[%mul3A_2, %dma_start3A_15] : memref<2048x1024xf32, #tpu.memory_space<hbm>> -> memref<64x1024xf32, #tpu.memory_space<hbm>>
      tpu.enqueue_dma source(%arg8 : memref<64x1024xf32, #tpu.memory_space<vmem>>) target(%dma_start3A_16 : memref<64x1024xf32, #tpu.memory_space<hbm>>) target_semaphore(%run_scoped3A : memref<!tpu.dma_semaphore, #tpu.memory_space<semaphore_mem>>)
      %dma_wait3A_17 = arith.constant 0 : i32
      %dma_wait3A_18 = tpu.memref_slice %arg6[%mul3A_2, %dma_wait3A_17] : memref<2048x1024xf32, #tpu.memory_space<hbm>> -> memref<64x1024xf32, #tpu.memory_space<hbm>>
      %dma_wait3A_19 = arith.constant 0 : i32
      %dma_wait3A_20 = tpu.memref_slice %arg6[%mul3A_2, %dma_wait3A_19] : memref<2048x1024xf32, #tpu.memory_space<hbm>> -> memref<64x1024xf32, #tpu.memory_space<hbm>>
      tpu.wait_dma2 semaphore(%run_scoped3A : memref<!tpu.dma_semaphore, #tpu.memory_space<semaphore_mem>>) src(%arg8 : memref<64x1024xf32, #tpu.memory_space<vmem>>) dst(%dma_wait3A_20 : memref<64x1024xf32, #tpu.memory_space<hbm>>)
      tpu.yield
    }) : () -> ()
    return
  }
}

module attributes {stable_mosaic.version = 14 : i64} {
  func.func @_qkv_body(%arg0: i32, %arg1: memref<256x1024xf32, #tpu.memory_space<vmem>>, %arg2: memref<1x1024xf32, #tpu.memory_space<vmem>>, %arg3: memref<1024x2048xbf16, #tpu.memory_space<vmem>>, %arg4: memref<256x32xf32, #tpu.memory_space<vmem>>, %arg5: memref<256x32xf32, #tpu.memory_space<vmem>>, %arg6: memref<16x256x64xbf16, #tpu.memory_space<vmem>>, %arg7: memref<8x256x64xbf16, #tpu.memory_space<vmem>>, %arg8: memref<8x256x64xbf16, #tpu.memory_space<vmem>>) attributes {dimension_semantics = [#tpu.dimension_semantics<arbitrary>], iteration_bounds = array<i64: 8>, scalar_prefetch = 0 : i64, scratch_operands = 0 : i64, tpu.core_type = #tpu.core_type<tc>, window_params = [{transform_indices = @transform_0, window_bounds = array<i64: 256, 1024>}, {pipeline_mode = #tpu.pipeline_mode<synchronous>, transform_indices = @transform_1, window_bounds = array<i64: 1, 1024>}, {pipeline_mode = #tpu.pipeline_mode<synchronous>, transform_indices = @transform_2, window_bounds = array<i64: 1024, 2048>}, {transform_indices = @transform_3, window_bounds = array<i64: 256, 32>}, {transform_indices = @transform_4, window_bounds = array<i64: 256, 32>}, {transform_indices = @transform_5, window_bounds = array<i64: 16, 256, 64>}, {transform_indices = @transform_6, window_bounds = array<i64: 8, 256, 64>}, {transform_indices = @transform_7, window_bounds = array<i64: 8, 256, 64>}]} {
    %get3A = arith.constant 0 : index
    %get3A_0 = arith.constant 0 : index
    %get3A_1 = vector.load %arg1[%get3A, %get3A_0] : memref<256x1024xf32, #tpu.memory_space<vmem>>, vector<256x1024xf32>
    %mul3A = arith.mulf %get3A_1, %get3A_1 : vector<256x1024xf32>
    %reduce_sum3A = arith.constant dense<0.000000e+00> : vector<256xf32>
    %reduce_sum3A_2 = vector.multi_reduction <add>, %mul3A, %reduce_sum3A [1] : vector<256x1024xf32> to vector<256xf32>
    %broadcast_in_dim3A = vector.shape_cast %reduce_sum3A_2 : vector<256xf32> to vector<256x1xf32>
    %div3A = arith.constant 1.024000e+03 : f32
    %div3A_3 = vector.broadcast %div3A : f32 to vector<256x1xf32>
    %div3A_4 = arith.divf %broadcast_in_dim3A, %div3A_3 : vector<256x1xf32>
    %add3A = arith.constant 9.99999974E-6 : f32
    %add3A_5 = vector.broadcast %add3A : f32 to vector<256x1xf32>
    %add3A_6 = arith.addf %div3A_4, %add3A_5 : vector<256x1xf32>
    %rsqrt3A = math.rsqrt %add3A_6 : vector<256x1xf32>
    %mul3A_7 = vector.broadcast %rsqrt3A : vector<256x1xf32> to vector<256x1024xf32>
    %mul3A_8 = arith.mulf %get3A_1, %mul3A_7 : vector<256x1024xf32>
    %get3A_9 = arith.constant 0 : index
    %get3A_10 = arith.constant 0 : index
    %get3A_11 = vector.load %arg2[%get3A_9, %get3A_10] : memref<1x1024xf32, #tpu.memory_space<vmem>>, vector<1x1024xf32>
    %mul3A_12 = vector.broadcast %get3A_11 : vector<1x1024xf32> to vector<256x1024xf32>
    %mul3A_13 = arith.mulf %mul3A_8, %mul3A_12 : vector<256x1024xf32>
    %convert_element_type3A = arith.truncf %mul3A_13 : vector<256x1024xf32> to vector<256x1024xbf16>
    %get3A_14 = arith.constant 0 : index
    %get3A_15 = arith.constant 0 : index
    %get3A_16 = vector.load %arg3[%get3A_14, %get3A_15] : memref<1024x2048xbf16, #tpu.memory_space<vmem>>, vector<1024x2048xbf16>
    %dot_general3A = arith.constant dense<0.000000e+00> : vector<256x2048xf32>
    %dot_general3A_17 = tpu.matmul %convert_element_type3A, %get3A_16, %dot_general3A {dimension_numbers = #tpu.dot_dimension_numbers<[1], [0], [0], [1], [0, 0, 1, 1], [], []>, transpose_lhs_hint = false} : vector<256x1024xbf16>, vector<1024x2048xbf16>, vector<256x2048xf32> -> vector<256x2048xf32>
    %get3A_18 = arith.constant 0 : index
    %get3A_19 = arith.constant 0 : index
    %get3A_20 = vector.load %arg4[%get3A_18, %get3A_19] : memref<256x32xf32, #tpu.memory_space<vmem>>, vector<256x32xf32>
    %broadcast_in_dim3A_21 = vector.shape_cast %get3A_20 : vector<256x32xf32> to vector<256x1x32xf32>
    %get3A_22 = arith.constant 0 : index
    %get3A_23 = arith.constant 0 : index
    %get3A_24 = vector.load %arg5[%get3A_22, %get3A_23] : memref<256x32xf32, #tpu.memory_space<vmem>>, vector<256x32xf32>
    %broadcast_in_dim3A_25 = vector.shape_cast %get3A_24 : vector<256x32xf32> to vector<256x1x32xf32>
    %slice3A = vector.extract_strided_slice %dot_general3A_17 {offsets = [0, 0], sizes = [256, 1024], strides = [1, 1]} : vector<256x2048xf32> to vector<256x1024xf32>
    %reshape3A = vector.shape_cast %slice3A : vector<256x1024xf32> to vector<256x16x64xf32>
    %slice3A_26 = vector.extract_strided_slice %reshape3A {offsets = [0, 0, 0], sizes = [256, 16, 32], strides = [1, 1, 1]} : vector<256x16x64xf32> to vector<256x16x32xf32>
    %slice3A_27 = vector.extract_strided_slice %reshape3A {offsets = [0, 0, 32], sizes = [256, 16, 32], strides = [1, 1, 1]} : vector<256x16x64xf32> to vector<256x16x32xf32>
    %mul3A_28 = vector.broadcast %broadcast_in_dim3A_21 : vector<256x1x32xf32> to vector<256x16x32xf32>
    %mul3A_29 = arith.mulf %slice3A_26, %mul3A_28 : vector<256x16x32xf32>
    %mul3A_30 = vector.broadcast %broadcast_in_dim3A_25 : vector<256x1x32xf32> to vector<256x16x32xf32>
    %mul3A_31 = arith.mulf %slice3A_27, %mul3A_30 : vector<256x16x32xf32>
    %sub3A = arith.subf %mul3A_29, %mul3A_31 : vector<256x16x32xf32>
    %mul3A_32 = vector.broadcast %broadcast_in_dim3A_21 : vector<256x1x32xf32> to vector<256x16x32xf32>
    %mul3A_33 = arith.mulf %slice3A_27, %mul3A_32 : vector<256x16x32xf32>
    %mul3A_34 = vector.broadcast %broadcast_in_dim3A_25 : vector<256x1x32xf32> to vector<256x16x32xf32>
    %mul3A_35 = arith.mulf %slice3A_26, %mul3A_34 : vector<256x16x32xf32>
    %add3A_36 = arith.addf %mul3A_33, %mul3A_35 : vector<256x16x32xf32>
    %concatenate3A = tpu.concatenate %sub3A, %add3A_36 in 2 : vector<256x16x32xf32>, vector<256x16x32xf32> -> vector<256x16x64xf32>
    %slice3A_37 = vector.extract_strided_slice %dot_general3A_17 {offsets = [0, 1024], sizes = [256, 512], strides = [1, 1]} : vector<256x2048xf32> to vector<256x512xf32>
    %reshape3A_38 = vector.shape_cast %slice3A_37 : vector<256x512xf32> to vector<256x8x64xf32>
    %slice3A_39 = vector.extract_strided_slice %reshape3A_38 {offsets = [0, 0, 0], sizes = [256, 8, 32], strides = [1, 1, 1]} : vector<256x8x64xf32> to vector<256x8x32xf32>
    %slice3A_40 = vector.extract_strided_slice %reshape3A_38 {offsets = [0, 0, 32], sizes = [256, 8, 32], strides = [1, 1, 1]} : vector<256x8x64xf32> to vector<256x8x32xf32>
    %mul3A_41 = vector.broadcast %broadcast_in_dim3A_21 : vector<256x1x32xf32> to vector<256x8x32xf32>
    %mul3A_42 = arith.mulf %slice3A_39, %mul3A_41 : vector<256x8x32xf32>
    %mul3A_43 = vector.broadcast %broadcast_in_dim3A_25 : vector<256x1x32xf32> to vector<256x8x32xf32>
    %mul3A_44 = arith.mulf %slice3A_40, %mul3A_43 : vector<256x8x32xf32>
    %sub3A_45 = arith.subf %mul3A_42, %mul3A_44 : vector<256x8x32xf32>
    %mul3A_46 = vector.broadcast %broadcast_in_dim3A_21 : vector<256x1x32xf32> to vector<256x8x32xf32>
    %mul3A_47 = arith.mulf %slice3A_40, %mul3A_46 : vector<256x8x32xf32>
    %mul3A_48 = vector.broadcast %broadcast_in_dim3A_25 : vector<256x1x32xf32> to vector<256x8x32xf32>
    %mul3A_49 = arith.mulf %slice3A_39, %mul3A_48 : vector<256x8x32xf32>
    %add3A_50 = arith.addf %mul3A_47, %mul3A_49 : vector<256x8x32xf32>
    %concatenate3A_51 = tpu.concatenate %sub3A_45, %add3A_50 in 2 : vector<256x8x32xf32>, vector<256x8x32xf32> -> vector<256x8x64xf32>
    %slice3A_52 = vector.extract_strided_slice %dot_general3A_17 {offsets = [0, 1536], sizes = [256, 512], strides = [1, 1]} : vector<256x2048xf32> to vector<256x512xf32>
    %reshape3A_53 = vector.shape_cast %slice3A_52 : vector<256x512xf32> to vector<256x8x64xf32>
    %transpose3A = tpu.transpose %concatenate3A, [1, 0, 2] : vector<256x16x64xf32> -> vector<16x256x64xf32>
    %convert_element_type3A_54 = arith.truncf %transpose3A : vector<16x256x64xf32> to vector<16x256x64xbf16>
    %swap3A = arith.constant 0 : index
    %swap3A_55 = arith.constant 0 : index
    %swap3A_56 = arith.constant 0 : index
    %swap3A_57 = vector.load %arg6[%swap3A, %swap3A_55, %swap3A_56] : memref<16x256x64xbf16, #tpu.memory_space<vmem>>, vector<16x256x64xbf16>
    tpu.vector_store %arg6[%swap3A, %swap3A_55, %swap3A_56], %convert_element_type3A_54 {strides = array<i32>} : memref<16x256x64xbf16, #tpu.memory_space<vmem>>, vector<16x256x64xbf16>,
    %transpose3A_58 = tpu.transpose %concatenate3A_51, [1, 0, 2] : vector<256x8x64xf32> -> vector<8x256x64xf32>
    %convert_element_type3A_59 = arith.truncf %transpose3A_58 : vector<8x256x64xf32> to vector<8x256x64xbf16>
    %swap3A_60 = arith.constant 0 : index
    %swap3A_61 = arith.constant 0 : index
    %swap3A_62 = arith.constant 0 : index
    %swap3A_63 = vector.load %arg7[%swap3A_60, %swap3A_61, %swap3A_62] : memref<8x256x64xbf16, #tpu.memory_space<vmem>>, vector<8x256x64xbf16>
    tpu.vector_store %arg7[%swap3A_60, %swap3A_61, %swap3A_62], %convert_element_type3A_59 {strides = array<i32>} : memref<8x256x64xbf16, #tpu.memory_space<vmem>>, vector<8x256x64xbf16>,
    %transpose3A_64 = tpu.transpose %reshape3A_53, [1, 0, 2] : vector<256x8x64xf32> -> vector<8x256x64xf32>
    %convert_element_type3A_65 = arith.truncf %transpose3A_64 : vector<8x256x64xf32> to vector<8x256x64xbf16>
    %swap3A_66 = arith.constant 0 : index
    %swap3A_67 = arith.constant 0 : index
    %swap3A_68 = arith.constant 0 : index
    %swap3A_69 = vector.load %arg8[%swap3A_66, %swap3A_67, %swap3A_68] : memref<8x256x64xbf16, #tpu.memory_space<vmem>>, vector<8x256x64xbf16>
    tpu.vector_store %arg8[%swap3A_66, %swap3A_67, %swap3A_68], %convert_element_type3A_65 {strides = array<i32>} : memref<8x256x64xbf16, #tpu.memory_space<vmem>>, vector<8x256x64xbf16>,
    return
  }
  func.func @transform_0(%arg0: i32) -> (i32, i32) {
    %c0_i32 = arith.constant 0 : i32
    %c0_i32_0 = arith.constant 0 : i32
    return %arg0, %c0_i32 : i32, i32
  }
  func.func @transform_1(%arg0: i32) -> (i32, i32) {
    %c0_i32 = arith.constant 0 : i32
    %c0_i32_0 = arith.constant 0 : i32
    %c0_i32_1 = arith.constant 0 : i32
    return %c0_i32, %c0_i32_0 : i32, i32
  }
  func.func @transform_2(%arg0: i32) -> (i32, i32) {
    %c0_i32 = arith.constant 0 : i32
    %c0_i32_0 = arith.constant 0 : i32
    %c0_i32_1 = arith.constant 0 : i32
    return %c0_i32, %c0_i32_0 : i32, i32
  }
  func.func @transform_3(%arg0: i32) -> (i32, i32) {
    %c0_i32 = arith.constant 0 : i32
    %c0_i32_0 = arith.constant 0 : i32
    return %arg0, %c0_i32 : i32, i32
  }
  func.func @transform_4(%arg0: i32) -> (i32, i32) {
    %c0_i32 = arith.constant 0 : i32
    %c0_i32_0 = arith.constant 0 : i32
    return %arg0, %c0_i32 : i32, i32
  }
  func.func @transform_5(%arg0: i32) -> (i32, i32, i32) {
    %c0_i32 = arith.constant 0 : i32
    %c0_i32_0 = arith.constant 0 : i32
    %c0_i32_1 = arith.constant 0 : i32
    return %c0_i32, %arg0, %c0_i32_0 : i32, i32, i32
  }
  func.func @transform_6(%arg0: i32) -> (i32, i32, i32) {
    %c0_i32 = arith.constant 0 : i32
    %c0_i32_0 = arith.constant 0 : i32
    %c0_i32_1 = arith.constant 0 : i32
    return %c0_i32, %arg0, %c0_i32_0 : i32, i32, i32
  }
  func.func @transform_7(%arg0: i32) -> (i32, i32, i32) {
    %c0_i32 = arith.constant 0 : i32
    %c0_i32_0 = arith.constant 0 : i32
    %c0_i32_1 = arith.constant 0 : i32
    return %c0_i32, %arg0, %c0_i32_0 : i32, i32, i32
  }
}

module attributes {stable_mosaic.version = 14 : i64} {
  func.func @_attn_body(%arg0: i32, %arg1: i32, %arg2: memref<1x256x64xbf16, #tpu.memory_space<vmem>>, %arg3: memref<1x2048x64xbf16, #tpu.memory_space<vmem>>, %arg4: memref<1x2048x64xbf16, #tpu.memory_space<vmem>>, %arg5: memref<1x256x64xbf16, #tpu.memory_space<vmem>>) attributes {dimension_semantics = [#tpu.dimension_semantics<arbitrary>, #tpu.dimension_semantics<arbitrary>], iteration_bounds = array<i64: 16, 8>, scalar_prefetch = 0 : i64, scratch_operands = 0 : i64, tpu.core_type = #tpu.core_type<tc>, window_params = [{transform_indices = @transform_0, window_bounds = array<i64: 1, 256, 64>}, {transform_indices = @transform_1, window_bounds = array<i64: 1, 2048, 64>}, {transform_indices = @transform_2, window_bounds = array<i64: 1, 2048, 64>}, {transform_indices = @transform_3, window_bounds = array<i64: 1, 256, 64>}]} {
    %get3A = arith.constant 0 : index
    %get3A_0 = arith.constant 0 : index
    %get3A_1 = arith.constant 0 : index
    %get3A_2 = vector.load %arg2[%get3A, %get3A_0, %get3A_1] : memref<1x256x64xbf16, #tpu.memory_space<vmem>>, vector<1x256x64xbf16>
    %get3A_3 = vector.shape_cast %get3A_2 : vector<1x256x64xbf16> to vector<256x64xbf16>
    %get3A_4 = arith.constant 0 : index
    %get3A_5 = arith.constant 0 : index
    %get3A_6 = arith.constant 0 : index
    %get3A_7 = vector.load %arg3[%get3A_4, %get3A_5, %get3A_6] : memref<1x2048x64xbf16, #tpu.memory_space<vmem>>, vector<1x2048x64xbf16>
    %get3A_8 = vector.shape_cast %get3A_7 : vector<1x2048x64xbf16> to vector<2048x64xbf16>
    %dot_general3A = arith.constant dense<0.000000e+00> : vector<256x2048xf32>
    %dot_general3A_9 = tpu.matmul %get3A_3, %get3A_8, %dot_general3A {dimension_numbers = #tpu.dot_dimension_numbers<[1], [1], [0], [0], [0, 0, 1, 0], [], []>, transpose_lhs_hint = false} : vector<256x64xbf16>, vector<2048x64xbf16>, vector<256x2048xf32> -> vector<256x2048xf32>
    %mul3A = arith.constant 1.250000e-01 : f32
    %mul3A_10 = vector.broadcast %mul3A : f32 to vector<256x2048xf32>
    %mul3A_11 = arith.mulf %dot_general3A_9, %mul3A_10 : vector<256x2048xf32>
    %mul3A_12 = arith.constant 256 : i32
    %mul3A_13 = arith.muli %arg1, %mul3A_12 : i32
    %iota3A = tpu.iota {dimensions = array<i32: 0>} : vector<256x2048xi32>
    %add3A = vector.broadcast %mul3A_13 : i32 to vector<256x2048xi32>
    %add3A_14 = arith.addi %add3A, %iota3A : vector<256x2048xi32>
    %iota3A_15 = tpu.iota {dimensions = array<i32: 1>} : vector<256x2048xi32>
    %ge3A = arith.cmpi sge, %add3A_14, %iota3A_15 : vector<256x2048xi32>
    %jit3A = arith.constant -3.40282347E+38 : f32
    %broadcast_in_dim3A = vector.broadcast %jit3A : f32 to vector<256x2048xf32>
    %select_n3A = arith.select %ge3A, %mul3A_11, %broadcast_in_dim3A : vector<256x2048xi1>, vector<256x2048xf32>
    %reduce_max3A = arith.constant dense<0xFF800000> : vector<256xf32>
    %reduce_max3A_16 = vector.multi_reduction <maximumf>, %select_n3A, %reduce_max3A [1] : vector<256x2048xf32> to vector<256xf32>
    %broadcast_in_dim3A_17 = vector.shape_cast %reduce_max3A_16 : vector<256xf32> to vector<256x1xf32>
    %sub3A = vector.broadcast %broadcast_in_dim3A_17 : vector<256x1xf32> to vector<256x2048xf32>
    %sub3A_18 = arith.subf %select_n3A, %sub3A : vector<256x2048xf32>
    %exp3A = math.exp %sub3A_18 : vector<256x2048xf32>
    %reduce_sum3A = arith.constant dense<0.000000e+00> : vector<256xf32>
    %reduce_sum3A_19 = vector.multi_reduction <add>, %exp3A, %reduce_sum3A [1] : vector<256x2048xf32> to vector<256xf32>
    %broadcast_in_dim3A_20 = vector.shape_cast %reduce_sum3A_19 : vector<256xf32> to vector<256x1xf32>
    %div3A = vector.broadcast %broadcast_in_dim3A_20 : vector<256x1xf32> to vector<256x2048xf32>
    %div3A_21 = arith.divf %exp3A, %div3A : vector<256x2048xf32>
    %convert_element_type3A = arith.truncf %div3A_21 : vector<256x2048xf32> to vector<256x2048xbf16>
    %get3A_22 = arith.constant 0 : index
    %get3A_23 = arith.constant 0 : index
    %get3A_24 = arith.constant 0 : index
    %get3A_25 = vector.load %arg4[%get3A_22, %get3A_23, %get3A_24] : memref<1x2048x64xbf16, #tpu.memory_space<vmem>>, vector<1x2048x64xbf16>
    %get3A_26 = vector.shape_cast %get3A_25 : vector<1x2048x64xbf16> to vector<2048x64xbf16>
    %dot_general3A_27 = arith.constant dense<0.000000e+00> : vector<256x64xf32>
    %dot_general3A_28 = tpu.matmul %convert_element_type3A, %get3A_26, %dot_general3A_27 {dimension_numbers = #tpu.dot_dimension_numbers<[1], [0], [0], [1], [0, 0, 1, 1], [], []>, transpose_lhs_hint = false} : vector<256x2048xbf16>, vector<2048x64xbf16>, vector<256x64xf32> -> vector<256x64xf32>
    %convert_element_type3A_29 = arith.truncf %dot_general3A_28 : vector<256x64xf32> to vector<256x64xbf16>
    %swap3A = arith.constant 0 : index
    %swap3A_30 = arith.constant 0 : index
    %swap3A_31 = arith.constant 0 : index
    %swap3A_32 = vector.load %arg5[%swap3A, %swap3A_30, %swap3A_31] : memref<1x256x64xbf16, #tpu.memory_space<vmem>>, vector<1x256x64xbf16>
    %swap3A_33 = vector.shape_cast %swap3A_32 : vector<1x256x64xbf16> to vector<256x64xbf16>
    %swap3A_34 = vector.shape_cast %convert_element_type3A_29 : vector<256x64xbf16> to vector<1x256x64xbf16>
    tpu.vector_store %arg5[%swap3A, %swap3A_30, %swap3A_31], %swap3A_34 {strides = array<i32>} : memref<1x256x64xbf16, #tpu.memory_space<vmem>>, vector<1x256x64xbf16>,
    return
  }
  func.func @transform_0(%arg0: i32, %arg1: i32) -> (i32, i32, i32) {
    %c0_i32 = arith.constant 0 : i32
    %c0_i32_0 = arith.constant 0 : i32
    return %arg0, %arg1, %c0_i32 : i32, i32, i32
  }
  func.func @transform_1(%arg0: i32, %arg1: i32) -> (i32, i32, i32) {
    %jit3A = arith.constant 2 : i32
    %div3A = arith.divsi %arg0, %jit3A : i32
    %sign3A = arith.constant 0 : i32
    %sign3A_0 = arith.cmpi sgt, %arg0, %sign3A : i32
    %sign3A_1 = arith.extui %sign3A_0 : i1 to i32
    %sign3A_2 = arith.constant 0 : i32
    %sign3A_3 = arith.cmpi slt, %arg0, %sign3A_2 : i32
    %sign3A_4 = arith.extui %sign3A_3 : i1 to i32
    %sign3A_5 = arith.subi %sign3A_1, %sign3A_4 : i32
    %sign3A_6 = arith.constant 0 : i32
    %sign3A_7 = arith.cmpi sgt, %jit3A, %sign3A_6 : i32
    %sign3A_8 = arith.extui %sign3A_7 : i1 to i32
    %sign3A_9 = arith.constant 0 : i32
    %sign3A_10 = arith.cmpi slt, %jit3A, %sign3A_9 : i32
    %sign3A_11 = arith.extui %sign3A_10 : i1 to i32
    %sign3A_12 = arith.subi %sign3A_8, %sign3A_11 : i32
    %ne3A = arith.cmpi ne, %sign3A_5, %sign3A_12 : i32
    %rem3A = arith.remsi %arg0, %jit3A : i32
    %ne3A_13 = arith.constant 0 : i32
    %ne3A_14 = arith.cmpi ne, %rem3A, %ne3A_13 : i32
    %and3A = arith.andi %ne3A, %ne3A_14 : i1
    %sub3A = arith.constant 1 : i32
    %sub3A_15 = arith.subi %div3A, %sub3A : i32
    %select_n3A = arith.select %and3A, %sub3A_15, %div3A : i32
    %c0_i32 = arith.constant 0 : i32
    %c0_i32_16 = arith.constant 0 : i32
    %c0_i32_17 = arith.constant 0 : i32
    return %select_n3A, %c0_i32, %c0_i32_16 : i32, i32, i32
  }
  func.func @transform_2(%arg0: i32, %arg1: i32) -> (i32, i32, i32) {
    %jit3A = arith.constant 2 : i32
    %div3A = arith.divsi %arg0, %jit3A : i32
    %sign3A = arith.constant 0 : i32
    %sign3A_0 = arith.cmpi sgt, %arg0, %sign3A : i32
    %sign3A_1 = arith.extui %sign3A_0 : i1 to i32
    %sign3A_2 = arith.constant 0 : i32
    %sign3A_3 = arith.cmpi slt, %arg0, %sign3A_2 : i32
    %sign3A_4 = arith.extui %sign3A_3 : i1 to i32
    %sign3A_5 = arith.subi %sign3A_1, %sign3A_4 : i32
    %sign3A_6 = arith.constant 0 : i32
    %sign3A_7 = arith.cmpi sgt, %jit3A, %sign3A_6 : i32
    %sign3A_8 = arith.extui %sign3A_7 : i1 to i32
    %sign3A_9 = arith.constant 0 : i32
    %sign3A_10 = arith.cmpi slt, %jit3A, %sign3A_9 : i32
    %sign3A_11 = arith.extui %sign3A_10 : i1 to i32
    %sign3A_12 = arith.subi %sign3A_8, %sign3A_11 : i32
    %ne3A = arith.cmpi ne, %sign3A_5, %sign3A_12 : i32
    %rem3A = arith.remsi %arg0, %jit3A : i32
    %ne3A_13 = arith.constant 0 : i32
    %ne3A_14 = arith.cmpi ne, %rem3A, %ne3A_13 : i32
    %and3A = arith.andi %ne3A, %ne3A_14 : i1
    %sub3A = arith.constant 1 : i32
    %sub3A_15 = arith.subi %div3A, %sub3A : i32
    %select_n3A = arith.select %and3A, %sub3A_15, %div3A : i32
    %c0_i32 = arith.constant 0 : i32
    %c0_i32_16 = arith.constant 0 : i32
    %c0_i32_17 = arith.constant 0 : i32
    return %select_n3A, %c0_i32, %c0_i32_16 : i32, i32, i32
  }
  func.func @transform_3(%arg0: i32, %arg1: i32) -> (i32, i32, i32) {
    %c0_i32 = arith.constant 0 : i32
    %c0_i32_0 = arith.constant 0 : i32
    return %arg0, %arg1, %c0_i32 : i32, i32, i32
  }
}

module attributes {stable_mosaic.version = 14 : i64} {
  func.func @_ores_body(%arg0: i32, %arg1: memref<16x256x64xbf16, #tpu.memory_space<vmem>>, %arg2: memref<1024x1024xbf16, #tpu.memory_space<vmem>>, %arg3: memref<256x1024xf32, #tpu.memory_space<vmem>>, %arg4: memref<1x1024xf32, #tpu.memory_space<vmem>>, %arg5: memref<1024x8xbf16, #tpu.memory_space<vmem>>, %arg6: memref<256x1024xf32, #tpu.memory_space<vmem>>, %arg7: memref<256x2xi32, #tpu.memory_space<vmem>>, %arg8: memref<256x2xf32, #tpu.memory_space<vmem>>) attributes {dimension_semantics = [#tpu.dimension_semantics<arbitrary>], iteration_bounds = array<i64: 8>, scalar_prefetch = 0 : i64, scratch_operands = 0 : i64, tpu.core_type = #tpu.core_type<tc>, window_params = [{transform_indices = @transform_0, window_bounds = array<i64: 16, 256, 64>}, {pipeline_mode = #tpu.pipeline_mode<synchronous>, transform_indices = @transform_1, window_bounds = array<i64: 1024, 1024>}, {transform_indices = @transform_2, window_bounds = array<i64: 256, 1024>}, {pipeline_mode = #tpu.pipeline_mode<synchronous>, transform_indices = @transform_3, window_bounds = array<i64: 1, 1024>}, {pipeline_mode = #tpu.pipeline_mode<synchronous>, transform_indices = @transform_4, window_bounds = array<i64: 1024, 8>}, {transform_indices = @transform_5, window_bounds = array<i64: 256, 1024>}, {transform_indices = @transform_6, window_bounds = array<i64: 256, 2>}, {transform_indices = @transform_7, window_bounds = array<i64: 256, 2>}]} {
    %get3A = arith.constant 0 : index
    %get3A_0 = arith.constant 0 : index
    %get3A_1 = arith.constant 0 : index
    %get3A_2 = vector.load %arg1[%get3A, %get3A_0, %get3A_1] : memref<16x256x64xbf16, #tpu.memory_space<vmem>>, vector<16x256x64xbf16>
    %transpose3A = tpu.transpose %get3A_2, [1, 0, 2] : vector<16x256x64xbf16> -> vector<256x16x64xbf16>
    %reshape3A = vector.shape_cast %transpose3A : vector<256x16x64xbf16> to vector<256x1024xbf16>
    %get3A_3 = arith.constant 0 : index
    %get3A_4 = arith.constant 0 : index
    %get3A_5 = vector.load %arg2[%get3A_3, %get3A_4] : memref<1024x1024xbf16, #tpu.memory_space<vmem>>, vector<1024x1024xbf16>
    %dot_general3A = arith.constant dense<0.000000e+00> : vector<256x1024xf32>
    %dot_general3A_6 = tpu.matmul %reshape3A, %get3A_5, %dot_general3A {dimension_numbers = #tpu.dot_dimension_numbers<[1], [0], [0], [1], [0, 0, 1, 1], [], []>, transpose_lhs_hint = false} : vector<256x1024xbf16>, vector<1024x1024xbf16>, vector<256x1024xf32> -> vector<256x1024xf32>
    %get3A_7 = arith.constant 0 : index
    %get3A_8 = arith.constant 0 : index
    %get3A_9 = vector.load %arg3[%get3A_7, %get3A_8] : memref<256x1024xf32, #tpu.memory_space<vmem>>, vector<256x1024xf32>
    %add3A = arith.addf %dot_general3A_6, %get3A_9 : vector<256x1024xf32>
    %mul3A = arith.mulf %add3A, %add3A : vector<256x1024xf32>
    %reduce_sum3A = arith.constant dense<0.000000e+00> : vector<256xf32>
    %reduce_sum3A_10 = vector.multi_reduction <add>, %mul3A, %reduce_sum3A [1] : vector<256x1024xf32> to vector<256xf32>
    %broadcast_in_dim3A = vector.shape_cast %reduce_sum3A_10 : vector<256xf32> to vector<256x1xf32>
    %div3A = arith.constant 1.024000e+03 : f32
    %div3A_11 = vector.broadcast %div3A : f32 to vector<256x1xf32>
    %div3A_12 = arith.divf %broadcast_in_dim3A, %div3A_11 : vector<256x1xf32>
    %add3A_13 = arith.constant 9.99999974E-6 : f32
    %add3A_14 = vector.broadcast %add3A_13 : f32 to vector<256x1xf32>
    %add3A_15 = arith.addf %div3A_12, %add3A_14 : vector<256x1xf32>
    %rsqrt3A = math.rsqrt %add3A_15 : vector<256x1xf32>
    %mul3A_16 = vector.broadcast %rsqrt3A : vector<256x1xf32> to vector<256x1024xf32>
    %mul3A_17 = arith.mulf %add3A, %mul3A_16 : vector<256x1024xf32>
    %get3A_18 = arith.constant 0 : index
    %get3A_19 = arith.constant 0 : index
    %get3A_20 = vector.load %arg4[%get3A_18, %get3A_19] : memref<1x1024xf32, #tpu.memory_space<vmem>>, vector<1x1024xf32>
    %mul3A_21 = vector.broadcast %get3A_20 : vector<1x1024xf32> to vector<256x1024xf32>
    %mul3A_22 = arith.mulf %mul3A_17, %mul3A_21 : vector<256x1024xf32>
    %swap3A = arith.constant 0 : index
    %swap3A_23 = arith.constant 0 : index
    %swap3A_24 = vector.load %arg6[%swap3A, %swap3A_23] : memref<256x1024xf32, #tpu.memory_space<vmem>>, vector<256x1024xf32>
    tpu.vector_store %arg6[%swap3A, %swap3A_23], %mul3A_22 {strides = array<i32>} : memref<256x1024xf32, #tpu.memory_space<vmem>>, vector<256x1024xf32>,
    %convert_element_type3A = arith.truncf %mul3A_22 : vector<256x1024xf32> to vector<256x1024xbf16>
    %get3A_25 = arith.constant 0 : index
    %get3A_26 = arith.constant 0 : index
    %get3A_27 = vector.load %arg5[%get3A_25, %get3A_26] : memref<1024x8xbf16, #tpu.memory_space<vmem>>, vector<1024x8xbf16>
    %dot_general3A_28 = arith.constant dense<0.000000e+00> : vector<256x8xf32>
    %dot_general3A_29 = tpu.matmul %convert_element_type3A, %get3A_27, %dot_general3A_28 {dimension_numbers = #tpu.dot_dimension_numbers<[1], [0], [0], [1], [0, 0, 1, 1], [], []>, transpose_lhs_hint = false} : vector<256x1024xbf16>, vector<1024x8xbf16>, vector<256x8xf32> -> vector<256x8xf32>
    %reduce_max3A = arith.constant dense<0xFF800000> : vector<256xf32>
    %reduce_max3A_30 = vector.multi_reduction <maximumf>, %dot_general3A_29, %reduce_max3A [1] : vector<256x8xf32> to vector<256xf32>
    %broadcast_in_dim3A_31 = vector.shape_cast %reduce_max3A_30 : vector<256xf32> to vector<256x1xf32>
    %sub3A = vector.broadcast %broadcast_in_dim3A_31 : vector<256x1xf32> to vector<256x8xf32>
    %sub3A_32 = arith.subf %dot_general3A_29, %sub3A : vector<256x8xf32>
    %exp3A = math.exp %sub3A_32 : vector<256x8xf32>
    %reduce_sum3A_33 = arith.constant dense<0.000000e+00> : vector<256xf32>
    %reduce_sum3A_34 = vector.multi_reduction <add>, %exp3A, %reduce_sum3A_33 [1] : vector<256x8xf32> to vector<256xf32>
    %broadcast_in_dim3A_35 = vector.shape_cast %reduce_sum3A_34 : vector<256xf32> to vector<256x1xf32>
    %div3A_36 = vector.broadcast %broadcast_in_dim3A_35 : vector<256x1xf32> to vector<256x8xf32>
    %div3A_37 = arith.divf %exp3A, %div3A_36 : vector<256x8xf32>
    %iota3A = tpu.iota {dimensions = array<i32: 1>} : vector<256x8xi32>
    %reduce_max3A_38 = arith.constant dense<0xFF800000> : vector<256xf32>
    %reduce_max3A_39 = vector.multi_reduction <maximumf>, %div3A_37, %reduce_max3A_38 [1] : vector<256x8xf32> to vector<256xf32>
    %broadcast_in_dim3A_40 = vector.shape_cast %reduce_max3A_39 : vector<256xf32> to vector<256x1xf32>
    %eq3A = vector.broadcast %broadcast_in_dim3A_40 : vector<256x1xf32> to vector<256x8xf32>
    %eq3A_41 = arith.cmpf oeq, %div3A_37, %eq3A : vector<256x8xf32>
    %jit3A = arith.constant 8 : i32
    %broadcast_in_dim3A_42 = vector.broadcast %jit3A : i32 to vector<256x8xi32>
    %select_n3A = arith.select %eq3A_41, %iota3A, %broadcast_in_dim3A_42 : vector<256x8xi1>, vector<256x8xi32>
    %reduce_min3A = arith.constant dense<2147483647> : vector<256xi32>
    %reduce_min3A_43 = vector.multi_reduction <minsi>, %select_n3A, %reduce_min3A [1] : vector<256x8xi32> to vector<256xi32>
    %broadcast_in_dim3A_44 = vector.shape_cast %reduce_min3A_43 : vector<256xi32> to vector<256x1xi32>
    %eq3A_45 = vector.broadcast %broadcast_in_dim3A_44 : vector<256x1xi32> to vector<256x8xi32>
    %eq3A_46 = arith.cmpi eq, %iota3A, %eq3A_45 : vector<256x8xi32>
    %jit3A_47 = arith.constant -1.000000e+00 : f32
    %broadcast_in_dim3A_48 = vector.broadcast %jit3A_47 : f32 to vector<256x8xf32>
    %select_n3A_49 = arith.select %eq3A_46, %broadcast_in_dim3A_48, %div3A_37 : vector<256x8xi1>, vector<256x8xf32>
    %reduce_max3A_50 = arith.constant dense<0xFF800000> : vector<256xf32>
    %reduce_max3A_51 = vector.multi_reduction <maximumf>, %select_n3A_49, %reduce_max3A_50 [1] : vector<256x8xf32> to vector<256xf32>
    %broadcast_in_dim3A_52 = vector.shape_cast %reduce_max3A_51 : vector<256xf32> to vector<256x1xf32>
    %eq3A_53 = vector.broadcast %broadcast_in_dim3A_52 : vector<256x1xf32> to vector<256x8xf32>
    %eq3A_54 = arith.cmpf oeq, %select_n3A_49, %eq3A_53 : vector<256x8xf32>
    %jit3A_55 = arith.constant 8 : i32
    %broadcast_in_dim3A_56 = vector.broadcast %jit3A_55 : i32 to vector<256x8xi32>
    %select_n3A_57 = arith.select %eq3A_54, %iota3A, %broadcast_in_dim3A_56 : vector<256x8xi1>, vector<256x8xi32>
    %reduce_min3A_58 = arith.constant dense<2147483647> : vector<256xi32>
    %reduce_min3A_59 = vector.multi_reduction <minsi>, %select_n3A_57, %reduce_min3A_58 [1] : vector<256x8xi32> to vector<256xi32>
    %broadcast_in_dim3A_60 = vector.shape_cast %reduce_min3A_59 : vector<256xi32> to vector<256x1xi32>
    %add3A_61 = arith.addf %broadcast_in_dim3A_40, %broadcast_in_dim3A_52 : vector<256x1xf32>
    %concatenate3A = tpu.concatenate %broadcast_in_dim3A_44, %broadcast_in_dim3A_60 in 1 : vector<256x1xi32>, vector<256x1xi32> -> vector<256x2xi32>
    %swap3A_62 = arith.constant 0 : index
    %swap3A_63 = arith.constant 0 : index
    %swap3A_64 = vector.load %arg7[%swap3A_62, %swap3A_63] : memref<256x2xi32, #tpu.memory_space<vmem>>, vector<256x2xi32>
    tpu.vector_store %arg7[%swap3A_62, %swap3A_63], %concatenate3A {strides = array<i32>} : memref<256x2xi32, #tpu.memory_space<vmem>>, vector<256x2xi32>,
    %div3A_65 = arith.divf %broadcast_in_dim3A_40, %add3A_61 : vector<256x1xf32>
    %div3A_66 = arith.divf %broadcast_in_dim3A_52, %add3A_61 : vector<256x1xf32>
    %concatenate3A_67 = tpu.concatenate %div3A_65, %div3A_66 in 1 : vector<256x1xf32>, vector<256x1xf32> -> vector<256x2xf32>
    %swap3A_68 = arith.constant 0 : index
    %swap3A_69 = arith.constant 0 : index
    %swap3A_70 = vector.load %arg8[%swap3A_68, %swap3A_69] : memref<256x2xf32, #tpu.memory_space<vmem>>, vector<256x2xf32>
    tpu.vector_store %arg8[%swap3A_68, %swap3A_69], %concatenate3A_67 {strides = array<i32>} : memref<256x2xf32, #tpu.memory_space<vmem>>, vector<256x2xf32>,
    return
  }
  func.func @transform_0(%arg0: i32) -> (i32, i32, i32) {
    %c0_i32 = arith.constant 0 : i32
    %c0_i32_0 = arith.constant 0 : i32
    %c0_i32_1 = arith.constant 0 : i32
    return %c0_i32, %arg0, %c0_i32_0 : i32, i32, i32
  }
  func.func @transform_1(%arg0: i32) -> (i32, i32) {
    %c0_i32 = arith.constant 0 : i32
    %c0_i32_0 = arith.constant 0 : i32
    %c0_i32_1 = arith.constant 0 : i32
    return %c0_i32, %c0_i32_0 : i32, i32
  }
  func.func @transform_2(%arg0: i32) -> (i32, i32) {
    %c0_i32 = arith.constant 0 : i32
    %c0_i32_0 = arith.constant 0 : i32
    return %arg0, %c0_i32 : i32, i32
  }
  func.func @transform_3(%arg0: i32) -> (i32, i32) {
    %c0_i32 = arith.constant 0 : i32
    %c0_i32_0 = arith.constant 0 : i32
    %c0_i32_1 = arith.constant 0 : i32
    return %c0_i32, %c0_i32_0 : i32, i32
  }
  func.func @transform_4(%arg0: i32) -> (i32, i32) {
    %c0_i32 = arith.constant 0 : i32
    %c0_i32_0 = arith.constant 0 : i32
    %c0_i32_1 = arith.constant 0 : i32
    return %c0_i32, %c0_i32_0 : i32, i32
  }
  func.func @transform_5(%arg0: i32) -> (i32, i32) {
    %c0_i32 = arith.constant 0 : i32
    %c0_i32_0 = arith.constant 0 : i32
    return %arg0, %c0_i32 : i32, i32
  }
  func.func @transform_6(%arg0: i32) -> (i32, i32) {
    %c0_i32 = arith.constant 0 : i32
    %c0_i32_0 = arith.constant 0 : i32
    return %arg0, %c0_i32 : i32, i32
  }
  func.func @transform_7(%arg0: i32) -> (i32, i32) {
    %c0_i32 = arith.constant 0 : i32
    %c0_i32_0 = arith.constant 0 : i32
    return %arg0, %c0_i32 : i32, i32
  }
}

module attributes {stable_mosaic.version = 14 : i64} {
  func.func @_plan_body(%arg0: memref<2048x2xi32, #tpu.memory_space<vmem>>, %arg1: memref<2048x2xi32, #tpu.memory_space<vmem>>, %arg2: memref<1x64xi32, #tpu.memory_space<vmem>>, %arg3: memref<1x1xi32, #tpu.memory_space<vmem>>) attributes {dimension_semantics = [], scalar_prefetch = 0 : i64, scratch_operands = 0 : i64, tpu.core_type = #tpu.core_type<tc>} {
    %get3A = arith.constant 0 : index
    %get3A_0 = arith.constant 0 : index
    %get3A_1 = vector.load %arg0[%get3A, %get3A_0] : memref<2048x2xi32, #tpu.memory_space<vmem>>, vector<2048x2xi32>
    %iota3A = tpu.iota {dimensions = array<i32: 1>} : vector<2048x8xi32>
    %slice3A = vector.extract_strided_slice %get3A_1 {offsets = [0, 0], sizes = [2048, 1], strides = [1, 1]} : vector<2048x2xi32> to vector<2048x1xi32>
    %eq3A = vector.broadcast %slice3A : vector<2048x1xi32> to vector<2048x8xi32>
    %eq3A_2 = arith.cmpi eq, %eq3A, %iota3A : vector<2048x8xi32>
    %convert_element_type3A = arith.extui %eq3A_2 : vector<2048x8xi1> to vector<2048x8xi32>
    %convert_element_type3A_3 = arith.sitofp %convert_element_type3A : vector<2048x8xi32> to vector<2048x8xf32>
    %slice3A_4 = vector.extract_strided_slice %get3A_1 {offsets = [0, 1], sizes = [2048, 1], strides = [1, 1]} : vector<2048x2xi32> to vector<2048x1xi32>
    %eq3A_5 = vector.broadcast %slice3A_4 : vector<2048x1xi32> to vector<2048x8xi32>
    %eq3A_6 = arith.cmpi eq, %eq3A_5, %iota3A : vector<2048x8xi32>
    %convert_element_type3A_7 = arith.extui %eq3A_6 : vector<2048x8xi1> to vector<2048x8xi32>
    %convert_element_type3A_8 = arith.sitofp %convert_element_type3A_7 : vector<2048x8xi32> to vector<2048x8xf32>
    %add3A = arith.addf %convert_element_type3A_3, %convert_element_type3A_8 : vector<2048x8xf32>
    %iota3A_9 = tpu.iota {dimensions = array<i32: 0>} : vector<256x256xi32>
    %iota3A_10 = tpu.iota {dimensions = array<i32: 1>} : vector<256x256xi32>
    %gt3A = arith.cmpi sgt, %iota3A_9, %iota3A_10 : vector<256x256xi32>
    %convert_element_type3A_11 = arith.extui %gt3A : vector<256x256xi1> to vector<256x256xi32>
    %convert_element_type3A_12 = arith.sitofp %convert_element_type3A_11 : vector<256x256xi32> to vector<256x256xf32>
    %convert_element_type3A_13 = arith.truncf %convert_element_type3A_12 : vector<256x256xf32> to vector<256x256xbf16>
    %broadcast_in_dim3A = arith.constant 0.000000e+00 : f32
    %broadcast_in_dim3A_14 = vector.broadcast %broadcast_in_dim3A : f32 to vector<1x8xf32>
    %slice3A_15 = vector.extract_strided_slice %add3A {offsets = [0, 0], sizes = [256, 8], strides = [1, 1]} : vector<2048x8xf32> to vector<256x8xf32>
    %convert_element_type3A_16 = arith.truncf %slice3A_15 : vector<256x8xf32> to vector<256x8xbf16>
    %dot_general3A = arith.constant dense<0.000000e+00> : vector<256x8xf32>
    %dot_general3A_17 = tpu.matmul %convert_element_type3A_13, %convert_element_type3A_16, %dot_general3A {dimension_numbers = #tpu.dot_dimension_numbers<[1], [0], [0], [1], [0, 0, 1, 1], [], []>, transpose_lhs_hint = false} : vector<256x256xbf16>, vector<256x8xbf16>, vector<256x8xf32> -> vector<256x8xf32>
    %add3A_18 = vector.broadcast %broadcast_in_dim3A_14 : vector<1x8xf32> to vector<256x8xf32>
    %add3A_19 = arith.addf %dot_general3A_17, %add3A_18 : vector<256x8xf32>
    %reduce_sum3A = arith.constant dense<0.000000e+00> : vector<8xf32>
    %reduce_sum3A_20 = vector.multi_reduction <add>, %slice3A_15, %reduce_sum3A [0] : vector<256x8xf32> to vector<8xf32>
    %broadcast_in_dim3A_21 = vector.shape_cast %reduce_sum3A_20 : vector<8xf32> to vector<1x8xf32>
    %add3A_22 = arith.addf %broadcast_in_dim3A_14, %broadcast_in_dim3A_21 : vector<1x8xf32>
    %slice3A_23 = vector.extract_strided_slice %add3A {offsets = [256, 0], sizes = [256, 8], strides = [1, 1]} : vector<2048x8xf32> to vector<256x8xf32>
    %convert_element_type3A_24 = arith.truncf %slice3A_23 : vector<256x8xf32> to vector<256x8xbf16>
    %dot_general3A_25 = arith.constant dense<0.000000e+00> : vector<256x8xf32>
    %dot_general3A_26 = tpu.matmul %convert_element_type3A_13, %convert_element_type3A_24, %dot_general3A_25 {dimension_numbers = #tpu.dot_dimension_numbers<[1], [0], [0], [1], [0, 0, 1, 1], [], []>, transpose_lhs_hint = false} : vector<256x256xbf16>, vector<256x8xbf16>, vector<256x8xf32> -> vector<256x8xf32>
    %add3A_27 = vector.broadcast %add3A_22 : vector<1x8xf32> to vector<256x8xf32>
    %add3A_28 = arith.addf %dot_general3A_26, %add3A_27 : vector<256x8xf32>
    %reduce_sum3A_29 = arith.constant dense<0.000000e+00> : vector<8xf32>
    %reduce_sum3A_30 = vector.multi_reduction <add>, %slice3A_23, %reduce_sum3A_29 [0] : vector<256x8xf32> to vector<8xf32>
    %broadcast_in_dim3A_31 = vector.shape_cast %reduce_sum3A_30 : vector<8xf32> to vector<1x8xf32>
    %add3A_32 = arith.addf %add3A_22, %broadcast_in_dim3A_31 : vector<1x8xf32>
    %slice3A_33 = vector.extract_strided_slice %add3A {offsets = [512, 0], sizes = [256, 8], strides = [1, 1]} : vector<2048x8xf32> to vector<256x8xf32>
    %convert_element_type3A_34 = arith.truncf %slice3A_33 : vector<256x8xf32> to vector<256x8xbf16>
    %dot_general3A_35 = arith.constant dense<0.000000e+00> : vector<256x8xf32>
    %dot_general3A_36 = tpu.matmul %convert_element_type3A_13, %convert_element_type3A_34, %dot_general3A_35 {dimension_numbers = #tpu.dot_dimension_numbers<[1], [0], [0], [1], [0, 0, 1, 1], [], []>, transpose_lhs_hint = false} : vector<256x256xbf16>, vector<256x8xbf16>, vector<256x8xf32> -> vector<256x8xf32>
    %add3A_37 = vector.broadcast %add3A_32 : vector<1x8xf32> to vector<256x8xf32>
    %add3A_38 = arith.addf %dot_general3A_36, %add3A_37 : vector<256x8xf32>
    %reduce_sum3A_39 = arith.constant dense<0.000000e+00> : vector<8xf32>
    %reduce_sum3A_40 = vector.multi_reduction <add>, %slice3A_33, %reduce_sum3A_39 [0] : vector<256x8xf32> to vector<8xf32>
    %broadcast_in_dim3A_41 = vector.shape_cast %reduce_sum3A_40 : vector<8xf32> to vector<1x8xf32>
    %add3A_42 = arith.addf %add3A_32, %broadcast_in_dim3A_41 : vector<1x8xf32>
    %slice3A_43 = vector.extract_strided_slice %add3A {offsets = [768, 0], sizes = [256, 8], strides = [1, 1]} : vector<2048x8xf32> to vector<256x8xf32>
    %convert_element_type3A_44 = arith.truncf %slice3A_43 : vector<256x8xf32> to vector<256x8xbf16>
    %dot_general3A_45 = arith.constant dense<0.000000e+00> : vector<256x8xf32>
    %dot_general3A_46 = tpu.matmul %convert_element_type3A_13, %convert_element_type3A_44, %dot_general3A_45 {dimension_numbers = #tpu.dot_dimension_numbers<[1], [0], [0], [1], [0, 0, 1, 1], [], []>, transpose_lhs_hint = false} : vector<256x256xbf16>, vector<256x8xbf16>, vector<256x8xf32> -> vector<256x8xf32>
    %add3A_47 = vector.broadcast %add3A_42 : vector<1x8xf32> to vector<256x8xf32>
    %add3A_48 = arith.addf %dot_general3A_46, %add3A_47 : vector<256x8xf32>
    %reduce_sum3A_49 = arith.constant dense<0.000000e+00> : vector<8xf32>
    %reduce_sum3A_50 = vector.multi_reduction <add>, %slice3A_43, %reduce_sum3A_49 [0] : vector<256x8xf32> to vector<8xf32>
    %broadcast_in_dim3A_51 = vector.shape_cast %reduce_sum3A_50 : vector<8xf32> to vector<1x8xf32>
    %add3A_52 = arith.addf %add3A_42, %broadcast_in_dim3A_51 : vector<1x8xf32>
    %slice3A_53 = vector.extract_strided_slice %add3A {offsets = [1024, 0], sizes = [256, 8], strides = [1, 1]} : vector<2048x8xf32> to vector<256x8xf32>
    %convert_element_type3A_54 = arith.truncf %slice3A_53 : vector<256x8xf32> to vector<256x8xbf16>
    %dot_general3A_55 = arith.constant dense<0.000000e+00> : vector<256x8xf32>
    %dot_general3A_56 = tpu.matmul %convert_element_type3A_13, %convert_element_type3A_54, %dot_general3A_55 {dimension_numbers = #tpu.dot_dimension_numbers<[1], [0], [0], [1], [0, 0, 1, 1], [], []>, transpose_lhs_hint = false} : vector<256x256xbf16>, vector<256x8xbf16>, vector<256x8xf32> -> vector<256x8xf32>
    %add3A_57 = vector.broadcast %add3A_52 : vector<1x8xf32> to vector<256x8xf32>
    %add3A_58 = arith.addf %dot_general3A_56, %add3A_57 : vector<256x8xf32>
    %reduce_sum3A_59 = arith.constant dense<0.000000e+00> : vector<8xf32>
    %reduce_sum3A_60 = vector.multi_reduction <add>, %slice3A_53, %reduce_sum3A_59 [0] : vector<256x8xf32> to vector<8xf32>
    %broadcast_in_dim3A_61 = vector.shape_cast %reduce_sum3A_60 : vector<8xf32> to vector<1x8xf32>
    %add3A_62 = arith.addf %add3A_52, %broadcast_in_dim3A_61 : vector<1x8xf32>
    %slice3A_63 = vector.extract_strided_slice %add3A {offsets = [1280, 0], sizes = [256, 8], strides = [1, 1]} : vector<2048x8xf32> to vector<256x8xf32>
    %convert_element_type3A_64 = arith.truncf %slice3A_63 : vector<256x8xf32> to vector<256x8xbf16>
    %dot_general3A_65 = arith.constant dense<0.000000e+00> : vector<256x8xf32>
    %dot_general3A_66 = tpu.matmul %convert_element_type3A_13, %convert_element_type3A_64, %dot_general3A_65 {dimension_numbers = #tpu.dot_dimension_numbers<[1], [0], [0], [1], [0, 0, 1, 1], [], []>, transpose_lhs_hint = false} : vector<256x256xbf16>, vector<256x8xbf16>, vector<256x8xf32> -> vector<256x8xf32>
    %add3A_67 = vector.broadcast %add3A_62 : vector<1x8xf32> to vector<256x8xf32>
    %add3A_68 = arith.addf %dot_general3A_66, %add3A_67 : vector<256x8xf32>
    %reduce_sum3A_69 = arith.constant dense<0.000000e+00> : vector<8xf32>
    %reduce_sum3A_70 = vector.multi_reduction <add>, %slice3A_63, %reduce_sum3A_69 [0] : vector<256x8xf32> to vector<8xf32>
    %broadcast_in_dim3A_71 = vector.shape_cast %reduce_sum3A_70 : vector<8xf32> to vector<1x8xf32>
    %add3A_72 = arith.addf %add3A_62, %broadcast_in_dim3A_71 : vector<1x8xf32>
    %slice3A_73 = vector.extract_strided_slice %add3A {offsets = [1536, 0], sizes = [256, 8], strides = [1, 1]} : vector<2048x8xf32> to vector<256x8xf32>
    %convert_element_type3A_74 = arith.truncf %slice3A_73 : vector<256x8xf32> to vector<256x8xbf16>
    %dot_general3A_75 = arith.constant dense<0.000000e+00> : vector<256x8xf32>
    %dot_general3A_76 = tpu.matmul %convert_element_type3A_13, %convert_element_type3A_74, %dot_general3A_75 {dimension_numbers = #tpu.dot_dimension_numbers<[1], [0], [0], [1], [0, 0, 1, 1], [], []>, transpose_lhs_hint = false} : vector<256x256xbf16>, vector<256x8xbf16>, vector<256x8xf32> -> vector<256x8xf32>
    %add3A_77 = vector.broadcast %add3A_72 : vector<1x8xf32> to vector<256x8xf32>
    %add3A_78 = arith.addf %dot_general3A_76, %add3A_77 : vector<256x8xf32>
    %reduce_sum3A_79 = arith.constant dense<0.000000e+00> : vector<8xf32>
    %reduce_sum3A_80 = vector.multi_reduction <add>, %slice3A_73, %reduce_sum3A_79 [0] : vector<256x8xf32> to vector<8xf32>
    %broadcast_in_dim3A_81 = vector.shape_cast %reduce_sum3A_80 : vector<8xf32> to vector<1x8xf32>
    %add3A_82 = arith.addf %add3A_72, %broadcast_in_dim3A_81 : vector<1x8xf32>
    %slice3A_83 = vector.extract_strided_slice %add3A {offsets = [1792, 0], sizes = [256, 8], strides = [1, 1]} : vector<2048x8xf32> to vector<256x8xf32>
    %convert_element_type3A_84 = arith.truncf %slice3A_83 : vector<256x8xf32> to vector<256x8xbf16>
    %dot_general3A_85 = arith.constant dense<0.000000e+00> : vector<256x8xf32>
    %dot_general3A_86 = tpu.matmul %convert_element_type3A_13, %convert_element_type3A_84, %dot_general3A_85 {dimension_numbers = #tpu.dot_dimension_numbers<[1], [0], [0], [1], [0, 0, 1, 1], [], []>, transpose_lhs_hint = false} : vector<256x256xbf16>, vector<256x8xbf16>, vector<256x8xf32> -> vector<256x8xf32>
    %add3A_87 = vector.broadcast %add3A_82 : vector<1x8xf32> to vector<256x8xf32>
    %add3A_88 = arith.addf %dot_general3A_86, %add3A_87 : vector<256x8xf32>
    %reduce_sum3A_89 = arith.constant dense<0.000000e+00> : vector<8xf32>
    %reduce_sum3A_90 = vector.multi_reduction <add>, %slice3A_83, %reduce_sum3A_89 [0] : vector<256x8xf32> to vector<8xf32>
    %broadcast_in_dim3A_91 = vector.shape_cast %reduce_sum3A_90 : vector<8xf32> to vector<1x8xf32>
    %add3A_92 = arith.addf %add3A_82, %broadcast_in_dim3A_91 : vector<1x8xf32>
    %concatenate3A = tpu.concatenate %add3A_19, %add3A_28, %add3A_38, %add3A_48, %add3A_58, %add3A_68, %add3A_78, %add3A_88 in 0 : vector<256x8xf32>, vector<256x8xf32>, vector<256x8xf32>, vector<256x8xf32>, vector<256x8xf32>, vector<256x8xf32>, vector<256x8xf32>, vector<256x8xf32> -> vector<2048x8xf32>
    %add3A_93 = arith.constant 1.270000e+02 : f32
    %add3A_94 = vector.broadcast %add3A_93 : f32 to vector<1x8xf32>
    %add3A_95 = arith.addf %add3A_92, %add3A_94 : vector<1x8xf32>
    %div3A = arith.constant 1.280000e+02 : f32
    %div3A_96 = vector.broadcast %div3A : f32 to vector<1x8xf32>
    %div3A_97 = arith.divf %add3A_95, %div3A_96 : vector<1x8xf32>
    %floor3A = math.floor %div3A_97 : vector<1x8xf32>
    %iota3A_98 = tpu.iota {dimensions = array<i32: 0>} : vector<8x8xi32>
    %iota3A_99 = tpu.iota {dimensions = array<i32: 1>} : vector<8x8xi32>
    %le3A = arith.cmpi sle, %iota3A_98, %iota3A_99 : vector<8x8xi32>
    %convert_element_type3A_100 = arith.extui %le3A : vector<8x8xi1> to vector<8x8xi32>
    %convert_element_type3A_101 = arith.sitofp %convert_element_type3A_100 : vector<8x8xi32> to vector<8x8xf32>
    %convert_element_type3A_102 = arith.truncf %convert_element_type3A_101 : vector<8x8xf32> to vector<8x8xbf16>
    %convert_element_type3A_103 = arith.truncf %floor3A : vector<1x8xf32> to vector<1x8xbf16>
    %dot_general3A_104 = arith.constant dense<0.000000e+00> : vector<1x8xf32>
    %dot_general3A_105 = tpu.matmul %convert_element_type3A_103, %convert_element_type3A_102, %dot_general3A_104 {dimension_numbers = #tpu.dot_dimension_numbers<[1], [0], [0], [1], [0, 0, 1, 1], [], []>, transpose_lhs_hint = false} : vector<1x8xbf16>, vector<8x8xbf16>, vector<1x8xf32> -> vector<1x8xf32>
    %sub3A = arith.subf %dot_general3A_105, %floor3A : vector<1x8xf32>
    %mul3A = arith.constant 1.280000e+02 : f32
    %mul3A_106 = vector.broadcast %mul3A : f32 to vector<1x8xf32>
    %mul3A_107 = arith.mulf %sub3A, %mul3A_106 : vector<1x8xf32>
    %add3A_108 = vector.broadcast %mul3A_107 : vector<1x8xf32> to vector<2048x8xf32>
    %add3A_109 = arith.addf %add3A_108, %concatenate3A : vector<2048x8xf32>
    %mul3A_110 = arith.mulf %convert_element_type3A_3, %add3A_109 : vector<2048x8xf32>
    %reduce_sum3A_111 = arith.constant dense<0.000000e+00> : vector<2048xf32>
    %reduce_sum3A_112 = vector.multi_reduction <add>, %mul3A_110, %reduce_sum3A_111 [1] : vector<2048x8xf32> to vector<2048xf32>
    %broadcast_in_dim3A_113 = vector.shape_cast %reduce_sum3A_112 : vector<2048xf32> to vector<2048x1xf32>
    %add3A_114 = vector.broadcast %mul3A_107 : vector<1x8xf32> to vector<2048x8xf32>
    %add3A_115 = arith.addf %add3A_114, %concatenate3A : vector<2048x8xf32>
    %mul3A_116 = arith.mulf %convert_element_type3A_8, %add3A_115 : vector<2048x8xf32>
    %reduce_sum3A_117 = arith.constant dense<0.000000e+00> : vector<2048xf32>
    %reduce_sum3A_118 = vector.multi_reduction <add>, %mul3A_116, %reduce_sum3A_117 [1] : vector<2048x8xf32> to vector<2048xf32>
    %broadcast_in_dim3A_119 = vector.shape_cast %reduce_sum3A_118 : vector<2048xf32> to vector<2048x1xf32>
    %concatenate3A_120 = tpu.concatenate %broadcast_in_dim3A_113, %broadcast_in_dim3A_119 in 1 : vector<2048x1xf32>, vector<2048x1xf32> -> vector<2048x2xf32>
    %convert_element_type3A_121 = arith.fptosi %concatenate3A_120 : vector<2048x2xf32> to vector<2048x2xi32>
    %swap3A = arith.constant 0 : index
    %swap3A_122 = arith.constant 0 : index
    %swap3A_123 = vector.load %arg1[%swap3A, %swap3A_122] : memref<2048x2xi32, #tpu.memory_space<vmem>>, vector<2048x2xi32>
    tpu.vector_store %arg1[%swap3A, %swap3A_122], %convert_element_type3A_121 {strides = array<i32>} : memref<2048x2xi32, #tpu.memory_space<vmem>>, vector<2048x2xi32>,
    %iota3A_124 = tpu.iota {dimensions = array<i32: 1>} : vector<1x64xi32>
    %convert_element_type3A_125 = arith.sitofp %iota3A_124 : vector<1x64xi32> to vector<1x64xf32>
    %reshape3A = vector.shape_cast %dot_general3A_105 : vector<1x8xf32> to vector<8x1xf32>
    %ge3A = vector.broadcast %convert_element_type3A_125 : vector<1x64xf32> to vector<8x64xf32>
    %ge3A_126 = vector.broadcast %reshape3A : vector<8x1xf32> to vector<8x64xf32>
    %ge3A_127 = arith.cmpf oge, %ge3A, %ge3A_126 : vector<8x64xf32>
    %convert_element_type3A_128 = arith.extui %ge3A_127 : vector<8x64xi1> to vector<8x64xi32>
    %convert_element_type3A_129 = arith.sitofp %convert_element_type3A_128 : vector<8x64xi32> to vector<8x64xf32>
    %reduce_sum3A_130 = arith.constant dense<0.000000e+00> : vector<64xf32>
    %reduce_sum3A_131 = vector.multi_reduction <add>, %convert_element_type3A_129, %reduce_sum3A_130 [0] : vector<8x64xf32> to vector<64xf32>
    %broadcast_in_dim3A_132 = vector.shape_cast %reduce_sum3A_131 : vector<64xf32> to vector<1x64xf32>
    %min3A = arith.constant 7.000000e+00 : f32
    %min3A_133 = vector.broadcast %min3A : f32 to vector<1x64xf32>
    %min3A_134 = arith.minimumf %broadcast_in_dim3A_132, %min3A_133 : vector<1x64xf32>
    %convert_element_type3A_135 = arith.fptosi %min3A_134 : vector<1x64xf32> to vector<1x64xi32>
    %swap3A_136 = arith.constant 0 : index
    %swap3A_137 = arith.constant 0 : index
    %swap3A_138 = vector.load %arg2[%swap3A_136, %swap3A_137] : memref<1x64xi32, #tpu.memory_space<vmem>>, vector<1x64xi32>
    tpu.vector_store %arg2[%swap3A_136, %swap3A_137], %convert_element_type3A_135 {strides = array<i32>} : memref<1x64xi32, #tpu.memory_space<vmem>>, vector<1x64xi32>,
    %slice3A_139 = vector.extract_strided_slice %dot_general3A_105 {offsets = [0, 7], sizes = [1, 1], strides = [1, 1]} : vector<1x8xf32> to vector<1x1xf32>
    %convert_element_type3A_140 = arith.fptosi %slice3A_139 : vector<1x1xf32> to vector<1x1xi32>
    %swap3A_141 = arith.constant 0 : index
    %swap3A_142 = arith.constant 0 : index
    %swap3A_143 = vector.load %arg3[%swap3A_141, %swap3A_142] : memref<1x1xi32, #tpu.memory_space<vmem>>, vector<1x1xi32>
    tpu.vector_store %arg3[%swap3A_141, %swap3A_142], %convert_element_type3A_140 {strides = array<i32>} : memref<1x1xi32, #tpu.memory_space<vmem>>, vector<1x1xi32>,
    return
  }
}

module attributes {stable_mosaic.version = 14 : i64} {
  func.func @_gmm_a_body(%arg0: i32, %arg1: i32, %arg2: memref<64xi32, #tpu.memory_space<smem>>, %arg3: memref<1xi32, #tpu.memory_space<smem>>, %arg4: memref<128x1024xf32, #tpu.memory_space<vmem>>, %arg5: memref<1x1024x1792xf32, #tpu.memory_space<vmem>>, %arg6: memref<1x1024x1792xf32, #tpu.memory_space<vmem>>, %arg7: memref<128x1792xbf16, #tpu.memory_space<vmem>>) attributes {dimension_semantics = [#tpu.dimension_semantics<arbitrary>, #tpu.dimension_semantics<arbitrary>], iteration_bounds = array<i64: 2, 40>, scalar_prefetch = 2 : i64, scratch_operands = 0 : i64, tpu.core_type = #tpu.core_type<tc>, window_params = [{transform_indices = @transform_0, window_bounds = array<i64: 128, 1024>}, {transform_indices = @transform_1, window_bounds = array<i64: 1, 1024, 1792>}, {transform_indices = @transform_2, window_bounds = array<i64: 1, 1024, 1792>}, {transform_indices = @transform_3, window_bounds = array<i64: 128, 1792>}]} {
    %get3A = arith.constant 0 : index
    %get3A_0 = memref.load %arg3[%get3A] : memref<1xi32, #tpu.memory_space<smem>>
    %lt3A = arith.cmpi slt, %arg1, %get3A_0 : i32
    %convert_element_type3A = arith.extui %lt3A : i1 to i32
    %cond3A = arith.constant 0 : i32
    %cond3A_1 = arith.cmpi ne, %convert_element_type3A, %cond3A : i32
    scf.if %cond3A_1 {
      %get3A_2 = arith.constant 0 : index
      %get3A_3 = arith.constant 0 : index
      %get3A_4 = vector.load %arg4[%get3A_2, %get3A_3] : memref<128x1024xf32, #tpu.memory_space<vmem>>, vector<128x1024xf32>
      %convert_element_type3A_5 = arith.truncf %get3A_4 : vector<128x1024xf32> to vector<128x1024xbf16>
      %get3A_6 = arith.constant 0 : index
      %get3A_7 = arith.constant 0 : index
      %get3A_8 = arith.constant 0 : index
      %get3A_9 = vector.load %arg5[%get3A_6, %get3A_7, %get3A_8] : memref<1x1024x1792xf32, #tpu.memory_space<vmem>>, vector<1x1024x1792xf32>
      %get3A_10 = vector.shape_cast %get3A_9 : vector<1x1024x1792xf32> to vector<1024x1792xf32>
      %convert_element_type3A_11 = arith.truncf %get3A_10 : vector<1024x1792xf32> to vector<1024x1792xbf16>
      %dot_general3A = arith.constant dense<0.000000e+00> : vector<128x1792xf32>
      %dot_general3A_12 = tpu.matmul %convert_element_type3A_5, %convert_element_type3A_11, %dot_general3A {dimension_numbers = #tpu.dot_dimension_numbers<[1], [0], [0], [1], [0, 0, 1, 1], [], []>, transpose_lhs_hint = false} : vector<128x1024xbf16>, vector<1024x1792xbf16>, vector<128x1792xf32> -> vector<128x1792xf32>
      %logistic3A = arith.negf %dot_general3A_12 : vector<128x1792xf32>
      %logistic3A_13 = math.exp %logistic3A : vector<128x1792xf32>
      %logistic3A_14 = arith.constant 1.000000e+00 : f32
      %logistic3A_15 = vector.broadcast %logistic3A_14 : f32 to vector<128x1792xf32>
      %logistic3A_16 = arith.addf %logistic3A_15, %logistic3A_13 : vector<128x1792xf32>
      %logistic3A_17 = arith.divf %logistic3A_15, %logistic3A_16 : vector<128x1792xf32>
      %mul3A = arith.mulf %dot_general3A_12, %logistic3A_17 : vector<128x1792xf32>
      %get3A_18 = arith.constant 0 : index
      %get3A_19 = arith.constant 0 : index
      %get3A_20 = arith.constant 0 : index
      %get3A_21 = vector.load %arg6[%get3A_18, %get3A_19, %get3A_20] : memref<1x1024x1792xf32, #tpu.memory_space<vmem>>, vector<1x1024x1792xf32>
      %get3A_22 = vector.shape_cast %get3A_21 : vector<1x1024x1792xf32> to vector<1024x1792xf32>
      %convert_element_type3A_23 = arith.truncf %get3A_22 : vector<1024x1792xf32> to vector<1024x1792xbf16>
      %dot_general3A_24 = arith.constant dense<0.000000e+00> : vector<128x1792xf32>
      %dot_general3A_25 = tpu.matmul %convert_element_type3A_5, %convert_element_type3A_23, %dot_general3A_24 {dimension_numbers = #tpu.dot_dimension_numbers<[1], [0], [0], [1], [0, 0, 1, 1], [], []>, transpose_lhs_hint = false} : vector<128x1024xbf16>, vector<1024x1792xbf16>, vector<128x1792xf32> -> vector<128x1792xf32>
      %mul3A_26 = arith.mulf %mul3A, %dot_general3A_25 : vector<128x1792xf32>
      %convert_element_type3A_27 = arith.truncf %mul3A_26 : vector<128x1792xf32> to vector<128x1792xbf16>
      %swap3A = arith.constant 0 : index
      %swap3A_28 = arith.constant 0 : index
      %swap3A_29 = vector.load %arg7[%swap3A, %swap3A_28] : memref<128x1792xbf16, #tpu.memory_space<vmem>>, vector<128x1792xbf16>
      tpu.vector_store %arg7[%swap3A, %swap3A_28], %convert_element_type3A_27 {strides = array<i32>} : memref<128x1792xbf16, #tpu.memory_space<vmem>>, vector<128x1792xbf16>,
    } else {
    }
    return
  }
  func.func @transform_0(%arg0: i32, %arg1: i32, %arg2: memref<64xi32, #tpu.memory_space<smem>>, %arg3: memref<1xi32, #tpu.memory_space<smem>>) -> (i32, i32) {
    %c0_i32 = arith.constant 0 : i32
    %c0_i32_0 = arith.constant 0 : i32
    return %arg1, %c0_i32 : i32, i32
  }
  func.func @transform_1(%arg0: i32, %arg1: i32, %arg2: memref<64xi32, #tpu.memory_space<smem>>, %arg3: memref<1xi32, #tpu.memory_space<smem>>) -> (i32, i32, i32) {
    %get3A = arith.index_cast %arg1 : i32 to index
    %get3A_0 = memref.load %arg2[%get3A] : memref<64xi32, #tpu.memory_space<smem>>
    %c0_i32 = arith.constant 0 : i32
    %c0_i32_1 = arith.constant 0 : i32
    return %get3A_0, %c0_i32, %arg0 : i32, i32, i32
  }
  func.func @transform_2(%arg0: i32, %arg1: i32, %arg2: memref<64xi32, #tpu.memory_space<smem>>, %arg3: memref<1xi32, #tpu.memory_space<smem>>) -> (i32, i32, i32) {
    %get3A = arith.index_cast %arg1 : i32 to index
    %get3A_0 = memref.load %arg2[%get3A] : memref<64xi32, #tpu.memory_space<smem>>
    %c0_i32 = arith.constant 0 : i32
    %c0_i32_1 = arith.constant 0 : i32
    return %get3A_0, %c0_i32, %arg0 : i32, i32, i32
  }
  func.func @transform_3(%arg0: i32, %arg1: i32, %arg2: memref<64xi32, #tpu.memory_space<smem>>, %arg3: memref<1xi32, #tpu.memory_space<smem>>) -> (i32, i32) {
    %c0_i32 = arith.constant 0 : i32
    return %arg1, %arg0 : i32, i32
  }
}

module attributes {stable_mosaic.version = 14 : i64} {
  func.func @_gmm_b_body(%arg0: i32, %arg1: memref<64xi32, #tpu.memory_space<smem>>, %arg2: memref<1xi32, #tpu.memory_space<smem>>, %arg3: memref<128x3584xbf16, #tpu.memory_space<vmem>>, %arg4: memref<1x3584x1024xf32, #tpu.memory_space<vmem>>, %arg5: memref<128x1024xf32, #tpu.memory_space<vmem>>) attributes {dimension_semantics = [#tpu.dimension_semantics<arbitrary>], iteration_bounds = array<i64: 40>, scalar_prefetch = 2 : i64, scratch_operands = 0 : i64, tpu.core_type = #tpu.core_type<tc>, window_params = [{transform_indices = @transform_0, window_bounds = array<i64: 128, 3584>}, {transform_indices = @transform_1, window_bounds = array<i64: 1, 3584, 1024>}, {transform_indices = @transform_2, window_bounds = array<i64: 128, 1024>}]} {
    %get3A = arith.constant 0 : index
    %get3A_0 = memref.load %arg2[%get3A] : memref<1xi32, #tpu.memory_space<smem>>
    %lt3A = arith.cmpi slt, %arg0, %get3A_0 : i32
    %convert_element_type3A = arith.extui %lt3A : i1 to i32
    %cond3A = arith.constant 0 : i32
    %cond3A_1 = arith.cmpi ne, %convert_element_type3A, %cond3A : i32
    scf.if %cond3A_1 {
      %get3A_2 = arith.constant 0 : index
      %get3A_3 = arith.constant 0 : index
      %get3A_4 = vector.load %arg3[%get3A_2, %get3A_3] : memref<128x3584xbf16, #tpu.memory_space<vmem>>, vector<128x3584xbf16>
      %get3A_5 = arith.constant 0 : index
      %get3A_6 = arith.constant 0 : index
      %get3A_7 = arith.constant 0 : index
      %get3A_8 = vector.load %arg4[%get3A_5, %get3A_6, %get3A_7] : memref<1x3584x1024xf32, #tpu.memory_space<vmem>>, vector<1x3584x1024xf32>
      %get3A_9 = vector.shape_cast %get3A_8 : vector<1x3584x1024xf32> to vector<3584x1024xf32>
      %convert_element_type3A_10 = arith.truncf %get3A_9 : vector<3584x1024xf32> to vector<3584x1024xbf16>
      %dot_general3A = arith.constant dense<0.000000e+00> : vector<128x1024xf32>
      %dot_general3A_11 = tpu.matmul %get3A_4, %convert_element_type3A_10, %dot_general3A {dimension_numbers = #tpu.dot_dimension_numbers<[1], [0], [0], [1], [0, 0, 1, 1], [], []>, transpose_lhs_hint = false} : vector<128x3584xbf16>, vector<3584x1024xbf16>, vector<128x1024xf32> -> vector<128x1024xf32>
      %swap3A = arith.constant 0 : index
      %swap3A_12 = arith.constant 0 : index
      %swap3A_13 = vector.load %arg5[%swap3A, %swap3A_12] : memref<128x1024xf32, #tpu.memory_space<vmem>>, vector<128x1024xf32>
      tpu.vector_store %arg5[%swap3A, %swap3A_12], %dot_general3A_11 {strides = array<i32>} : memref<128x1024xf32, #tpu.memory_space<vmem>>, vector<128x1024xf32>,
    } else {
    }
    return
  }
  func.func @transform_0(%arg0: i32, %arg1: memref<64xi32, #tpu.memory_space<smem>>, %arg2: memref<1xi32, #tpu.memory_space<smem>>) -> (i32, i32) {
    %c0_i32 = arith.constant 0 : i32
    %c0_i32_0 = arith.constant 0 : i32
    return %arg0, %c0_i32 : i32, i32
  }
  func.func @transform_1(%arg0: i32, %arg1: memref<64xi32, #tpu.memory_space<smem>>, %arg2: memref<1xi32, #tpu.memory_space<smem>>) -> (i32, i32, i32) {
    %get3A = arith.index_cast %arg0 : i32 to index
    %get3A_0 = memref.load %arg1[%get3A] : memref<64xi32, #tpu.memory_space<smem>>
    %c0_i32 = arith.constant 0 : i32
    %c0_i32_1 = arith.constant 0 : i32
    %c0_i32_2 = arith.constant 0 : i32
    return %get3A_0, %c0_i32, %c0_i32_1 : i32, i32, i32
  }
  func.func @transform_2(%arg0: i32, %arg1: memref<64xi32, #tpu.memory_space<smem>>, %arg2: memref<1xi32, #tpu.memory_space<smem>>) -> (i32, i32) {
    %c0_i32 = arith.constant 0 : i32
    %c0_i32_0 = arith.constant 0 : i32
    return %arg0, %c0_i32 : i32, i32
  }
}

module attributes {stable_mosaic.version = 14 : i64} {
  func.func @_combine_body(%arg0: i32, %arg1: memref<256x1024xf32, #tpu.memory_space<vmem>>, %arg2: memref<256x1024xf32, #tpu.memory_space<vmem>>, %arg3: memref<256x2xf32, #tpu.memory_space<vmem>>, %arg4: memref<256x1024xf32, #tpu.memory_space<vmem>>) attributes {dimension_semantics = [#tpu.dimension_semantics<arbitrary>], iteration_bounds = array<i64: 8>, scalar_prefetch = 0 : i64, scratch_operands = 0 : i64, tpu.core_type = #tpu.core_type<tc>, window_params = [{transform_indices = @transform_0, window_bounds = array<i64: 256, 1024>}, {transform_indices = @transform_1, window_bounds = array<i64: 256, 1024>}, {transform_indices = @transform_2, window_bounds = array<i64: 256, 2>}, {transform_indices = @transform_3, window_bounds = array<i64: 256, 1024>}]} {
    %get3A = arith.constant 0 : index
    %get3A_0 = arith.constant 0 : index
    %get3A_1 = vector.load %arg3[%get3A, %get3A_0] : memref<256x2xf32, #tpu.memory_space<vmem>>, vector<256x2xf32>
    %slice3A = vector.extract_strided_slice %get3A_1 {offsets = [0, 0], sizes = [256, 1], strides = [1, 1]} : vector<256x2xf32> to vector<256x1xf32>
    %get3A_2 = arith.constant 0 : index
    %get3A_3 = arith.constant 0 : index
    %get3A_4 = vector.load %arg1[%get3A_2, %get3A_3] : memref<256x1024xf32, #tpu.memory_space<vmem>>, vector<256x1024xf32>
    %mul3A = vector.broadcast %slice3A : vector<256x1xf32> to vector<256x1024xf32>
    %mul3A_5 = arith.mulf %mul3A, %get3A_4 : vector<256x1024xf32>
    %slice3A_6 = vector.extract_strided_slice %get3A_1 {offsets = [0, 1], sizes = [256, 1], strides = [1, 1]} : vector<256x2xf32> to vector<256x1xf32>
    %get3A_7 = arith.constant 0 : index
    %get3A_8 = arith.constant 0 : index
    %get3A_9 = vector.load %arg2[%get3A_7, %get3A_8] : memref<256x1024xf32, #tpu.memory_space<vmem>>, vector<256x1024xf32>
    %mul3A_10 = vector.broadcast %slice3A_6 : vector<256x1xf32> to vector<256x1024xf32>
    %mul3A_11 = arith.mulf %mul3A_10, %get3A_9 : vector<256x1024xf32>
    %add3A = arith.addf %mul3A_5, %mul3A_11 : vector<256x1024xf32>
    %swap3A = arith.constant 0 : index
    %swap3A_12 = arith.constant 0 : index
    %swap3A_13 = vector.load %arg4[%swap3A, %swap3A_12] : memref<256x1024xf32, #tpu.memory_space<vmem>>, vector<256x1024xf32>
    tpu.vector_store %arg4[%swap3A, %swap3A_12], %add3A {strides = array<i32>} : memref<256x1024xf32, #tpu.memory_space<vmem>>, vector<256x1024xf32>,
    return
  }
  func.func @transform_0(%arg0: i32) -> (i32, i32) {
    %c0_i32 = arith.constant 0 : i32
    %c0_i32_0 = arith.constant 0 : i32
    return %arg0, %c0_i32 : i32, i32
  }
  func.func @transform_1(%arg0: i32) -> (i32, i32) {
    %c0_i32 = arith.constant 0 : i32
    %c0_i32_0 = arith.constant 0 : i32
    return %arg0, %c0_i32 : i32, i32
  }
  func.func @transform_2(%arg0: i32) -> (i32, i32) {
    %c0_i32 = arith.constant 0 : i32
    %c0_i32_0 = arith.constant 0 : i32
    return %arg0, %c0_i32 : i32, i32
  }
  func.func @transform_3(%arg0: i32) -> (i32, i32) {
    %c0_i32 = arith.constant 0 : i32
    %c0_i32_0 = arith.constant 0 : i32
    return %arg0, %c0_i32 : i32, i32
  }
}

</mosaic_0001>

<sc_bundles>
// kernel: kernel.11.cloned.1.call-start
scs
__scs_entry_jumppad:
0x0: {  	(pc) =	sbr.rel $0x88, $3  }
0x1: {  	(tag) =	ssettag $0x0;
	lr =	simm.s32 $0x1  }
0x2: {  	[smem:$0x3F95] =	sst lr;
	_ =	strace $0xD0000000  }
0x3: {  	_ = 	snop  }
0x4: {  	_ = 	snop  }
0x5: {  	_ = 	snop  }
0x6: {  	_ = 	snop  }
0x7: {  	_ = 	snop  }
__scs_overlays_trampoline_lowered:
0x8: {  	[smem:$0x3FA4] =	sst s0  }
0x9: {  	[smem:$0x3FA5] =	sst s1  }
0xa: {  	[smem:$0x3FA6] =	sst s2  }
0xb: {  	[smem:$0x3FA7] =	sst s3  }
0xc: {  	[smem:$0x3FA8] =	sst s4  }
0xd: {  	[smem:$0x3FA9] =	sst s5  }
0xe: {  	[smem:$0x3FAA] =	sst s6  }
0xf: {  	[smem:$0x3FAB] =	sst s7  }
0x10: {  	[smem:$0x3FAC] =	sst s8  }
0x11: {  	[smem:$0x3FAD] =	sst s9;
	s0 =	simm.s32 @!p0 $0x0  }
0x12: {  	s1 =	sld [smem:$0x3F93];
	s0 =	simm.s32 @p0 $0x1  }
0x13: {  	[smem:$0x3FAE] =	sst s0;
	s0 =	simm.s32 @!p1 $0x0  }
0x14: {  	s2 =	sld [smem:$0x3F92];
	s0 =	simm.s32 @p1 $0x1  }
0x15: {  	[smem:$0x3FAF] =	sst s0;
	s0 =	simm.s32 @!p2 $0x0  }
0x16: {  	s3 =	sld [smem:$0x3FDB];
	s0 =	simm.s32 @p2 $0x1  }
0x17: {  	s4 =	simm.s32 $0x1BF5;
	[smem:$0x3FB1] =	sst s0  }
0x18: {  	s0 =	sld [smem:$0x3F94];
	_ =	swait.ge [sflag:s4], $0x0  }
0x19: {  	s7 =	sld [smem:$0x3F95]  }
0x1a: {  	s8 =	sadd.s32 $0xFFFFE003, lr  }
0x1b: {  	s9 =	sadd.s32 $0xFFFFFEF7, lr;
	s5 =	simm.s32 $0xFFFFFFFF;
	p2 =	slt.u32 s8, $0xFFFFF086  }
0x1c: {  	p1 =	slt.u32 s9, $0xF7A;
	s5 =	simm.s32 @!p2 $0x0  }
0x1d: {  	s5 =	simm.s32 @p1 $0x1;
	p0 =	seq.s32 s7, s2  }
0x1e: {  	s7 =	smul.u32 @!p0 $0xF7A, s2;
	p2 =	seq.s32 @!p0 s5, $0x0  }
0x1f: {  	s9 =	smul.u32 $0xF7A, s1;
	s8 =	simm.s32 @!p0 $0x1BF5;
	p2 =	por !p2, p0  }
0x20: {  	[sflag:s8] =	ssyncset.s32 @!p0 $0xFFFFF086;
	s6 =	sadd.s32 @!p0 s3, s7;
	s7 =	simm.s32 @!p0 $0x108  }
0x21: {  	s3 =	sadd.s32 s3, s9;
	s6 =	sadd.s32 @!p0 $0x88, s6;
	s7 =	simm.s32 @p2 $0x1082  }
0x22: {  	[simem:s7], [sflag:s8] =	dma.local @!p0 [hbm:s6], $0xF7A  }
0x23: {  	s9 =	sor.u32 $0xD0000000, s2;
	s6 =	simm.s32 $0x108;
	_ =	swait.ge @!p0 [sflag:s8], $0x0  }
0x24: {  	s3 =	sadd.s32 $0x88, s3;
	s6 =	simm.s32 @!p1 $0x1082;
	[sflag:s4] =	ssyncset.s32 $0xFFFFF086  }
0x25: {  	[simem:s6], [sflag:s4] =	dma.local [hbm:s3], $0xF7A  }
0x26: {  	[smem:$0x3F95] =	sst s1;
	(tag) =	ssettag s2;
	_ =	strace s9  }
0x27: {  	s1 =	sld [smem:$0x3FA5]  }
0x28: {  	s2 =	sld [smem:$0x3FA6]  }
0x29: {  	s4 =	sld [smem:$0x3FA8]  }
0x2a: {  	p0 =	seq.s32 s5, $0x0;
	s5 =	sld [smem:$0x3FA9]  }
0x2b: {  	s6 =	sld [smem:$0x3FAA]  }
0x2c: {  	s7 =	sld [smem:$0x3FAB]  }
0x2d: {  	s3 =	simm.s32 $0x108;
	s8 =	sld [smem:$0x3FAC]  }
0x2e: {  	s3 =	simm.s32 @!p0 $0x1082;
	s9 =	sld [smem:$0x3FAD]  }
0x2f: {  	lr =	sadd.s32 s0, s3;
	s0 =	sld [smem:$0x3FA4]  }
0x30: {  	s3 =	sld [smem:$0x3FA7]  }
0x31: {  	[smem:$0x3FB0] =	sst s10  }
0x32: {  	s10 =	sld [smem:$0x3FAE];
	_ =	sdelay $0x3  }
0x33: {  	p0 =	seq.s32 s10, $0x1;
	s10 =	sld [smem:$0x3FB0];
	_ =	sdelay $0x3  }
0x34: {  	[smem:$0x3FB0] =	sst s10  }
0x35: {  	s10 =	sld [smem:$0x3FAF];
	_ =	sdelay $0x3  }
0x36: {  	p1 =	seq.s32 s10, $0x1;
	s10 =	sld [smem:$0x3FB0];
	_ =	sdelay $0x3  }
0x37: {  	[smem:$0x3FB0] =	sst s10  }
0x38: {  	s10 =	sld [smem:$0x3FB1]  }
0x39: {  	_ = 	snop;
	(pc) =	sbr.ind lr, $3  }
0x3a: {  	_ = 	snop  }
0x3b: {  	_ = 	snop  }
0x3c: {  	p2 =	seq.s32 s10, $0x1;
	s10 =	sld [smem:$0x3FB0]  }
0x3d: {  	_ =	shalt  }
0x3e: {  	_ =	shalt  }
0x3f: {  	_ =	shalt  }
0x40: {  	_ =	shalt  }
0x41: {  	_ =	shalt  }
0x42: {  	_ =	shalt  }
0x43: {  	_ =	shalt  }
0x44: {  	_ =	shalt  }
0x45: {  	_ =	shalt  }
0x46: {  	_ =	shalt  }
0x47: {  	_ =	shalt  }
0x48: {  	_ =	shalt  }
0x49: {  	_ =	shalt  }
0x4a: {  	_ =	shalt  }
0x4b: {  	_ =	shalt  }
0x4c: {  	_ =	shalt  }
0x4d: {  	_ =	shalt  }
0x4e: {  	_ =	shalt  }
0x4f: {  	_ =	shalt  }
0x50: {  	_ =	shalt  }
0x51: {  	_ =	shalt  }
0x52: {  	_ =	shalt  }
0x53: {  	_ =	shalt  }
0x54: {  	_ =	shalt  }
0x55: {  	_ =	shalt  }
0x56: {  	_ =	shalt  }
0x57: {  	_ =	shalt  }
0x58: {  	_ =	shalt  }
0x59: {  	_ =	shalt  }
0x5a: {  	_ =	shalt  }
0x5b: {  	_ =	shalt  }
0x5c: {  	_ =	shalt  }
0x5d: {  	_ =	shalt  }
0x5e: {  	_ =	shalt  }
0x5f: {  	_ =	shalt  }
0x60: {  	_ =	shalt  }
0x61: {  	_ =	shalt  }
0x62: {  	_ =	shalt  }
0x63: {  	_ =	shalt  }
0x64: {  	_ =	shalt  }
0x65: {  	_ =	shalt  }
0x66: {  	_ =	shalt  }
0x67: {  	_ =	shalt  }
0x68: {  	_ =	shalt  }
0x69: {  	_ =	shalt  }
0x6a: {  	_ =	shalt  }
0x6b: {  	_ =	shalt  }
0x6c: {  	_ =	shalt  }
0x6d: {  	_ =	shalt  }
0x6e: {  	_ =	shalt  }
0x6f: {  	_ =	shalt  }
0x70: {  	_ =	shalt  }
0x71: {  	_ =	shalt  }
0x72: {  	_ =	shalt  }
0x73: {  	_ =	shalt  }
0x74: {  	_ =	shalt  }
0x75: {  	_ =	shalt  }
0x76: {  	_ =	shalt  }
0x77: {  	_ =	shalt  }
0x78: {  	_ =	shalt  }
0x79: {  	_ =	shalt  }
0x7a: {  	_ =	shalt  }
0x7b: {  	_ =	shalt  }
0x7c: {  	_ =	shalt  }
0x7d: {  	_ =	shalt  }
0x7e: {  	_ =	shalt  }
0x7f: {  	_ =	shalt  }
0x80: {  	_ =	shalt  }
0x81: {  	_ =	shalt  }
0x82: {  	_ =	shalt  }
0x83: {  	_ =	shalt  }
0x84: {  	_ =	shalt  }
0x85: {  	_ =	shalt  }
0x86: {  	_ =	shalt  }
0x87: {  	_ =	shalt  }
.Lfunc_end0:
.L_simem_size_0:
called_computation_lowered:
.L_overlay_start_0:
0x88: {  	s2 =	sld [smem:$0x3FD9]  }
0x89: {  	s3 =	sld [smem:$0x3FFE];
	_ =	sdelay $0x1  }
0x8a: {  	s1 =	srdreg.scid  }
0x8b: {  	s0 =	sand.u32 $0x1, s1  }
0x8c: {  	s17 =	sshll.u32 s0, $0xA;
	s2 =	sadd.s32 s3, s2  }
0x8d: {  	s2 =	sadd.s32 s2, s17  }
0x8e: {  	[smem:$0x3FBC] =	sst s2  }
0x8f: {  	_ = 	snop  }
0x90: {  	s2 =	sld [smem:$0x3FD0];
	(tm) =	ssettm $0x1  }
0x91: {  	s18 =	sld [smem:$0x3FFB];
	_ =	sdelay $0x3  }
0x92: {  	_ =	strace s18  }
0x93: {  	s3 =	sld [smem:$0x3FFC];
	_ =	sdelay $0x3  }
0x94: {  	_ =	strace s3  }
0x95: {  	s3 =	sld [smem:$0x3FFD];
	_ =	sdelay $0x3  }
0x96: {  	_ =	strace s3  }
0x97: {  	_ =	strace $0x8FFFFFFF  }
0x98: {  	s19 =	sld [smem:$0x3FDB];
	_ =	sdelay $0x1  }
0x99: {  	s4 =	simm.s32 $_scs_section_size  }
0x9a: {  	s5 =	simm.s32 $_size__tile_overlayer_lowered;
	s6 =	simm.s32 $_tile_overlayer_lowered  }
0x9b: {  	s22 =	simm.s32 $0x1BFF;
	s21 =	sshll.u32 s6, $0x1;
	s3 =	sadd.s32 s4, s19  }
0x9c: {  	s7 =	simm.s32 $0x0;
	s20 =	sshll.u32 s5, $0x1;
	s5 =	sadd.s32 s21, s3  }
0x9d: {  	[timem:s7], [sflag:s22] =	dma.local [hbm:s5], s20  }
0x9e: {  	_ =	swait.ge [sflag:s22], s20  }
0x9f: {  	s4 =	ssub.s32 $0x0, s20;
	[sflag:s22] =	ssyncset.done $0x0  }
0xa0: {  	[sflag:s22] =	ssyncadd.s32 s4;
	_ =	sdelay $0x1  }
0xa1: {  	s23 =	simm.s32 $0x1B8B  }
0xa2: {  	_ =	swait.ge [sflag:s23], $0x1  }
0xa3: {  	[sflag:s23] =	ssyncset.done $0x0  }
0xa4: {  	s25 =	simm.s32 $0x1B8E;
	s24 =	sld [smem:$0x3FFE];
	[sflag:s23] =	ssyncadd.s32 $0xFFFFFFFF  }
0xa5: {  	s26 =	simm.s32 $execute0_lowered;
	[smem:$0x3FD2] =	sst s25  }
0xa6: {  	s5 =	sshll.u32 s26, $0x1;
	_ =	strace $0x80000046;
	[dreg:$0x1] =	wrdreg $0xFFFFFFFF  }
0xa7: {  	s28 =	simm.s32 $_size_execute0_lowered;
	s3 =	sadd.s32 s3, s5;
	[dreg:$0x0] =	wrdreg $0x0  }
0xa8: {  	s5 =	sshll.u32 s28, $0x1;
	[dreg:$0x2] =	wrdreg s3  }
0xa9: {  	[dreg:$0x3] =	wrdreg s5  }
0xaa: {  	[dreg:$0x4] =	wrdreg $0xC0  }
0xab: {  	_ =	task [dreg:s7], $0x5FFFF  }
0xac: {  	[dreg:$0x1] =	wrdreg $0xFFFFFFFF  }
0xad: {  	[dreg:$0x0] =	wrdreg $0x60  }
0xae: {  	[dreg:$0x2] =	wrdreg s2  }
0xaf: {  	[dreg:$0x3] =	wrdreg s24  }
0xb0: {  	[dreg:$0x4] =	wrdreg $0x9  }
0xb1: {  	_ =	task.clear_ibuf [dreg:s7], $0x5FFFF;
	_ =	strace $0x90000046  }
0xb2: {  	s29 =	simm.s32 $0x9;
	_ =	strace $0x80000048  }
0xb3: {  	_ =	swait.ge [sflag:s29], $0x1  }
0xb4: {  	[sflag:s29] =	ssyncadd.s32 $0xFFFFFFFF  }
0xb5: {  	_ =	strace $0x90000048  }
0xb6: {  	_ =	sfence  }
0xb7: {  	s30 =	sld [smem:$0x0];
	_ =	sdelay $0x2  }
0xb8: {  	s31 =	sshll.u32 s1, $0xD;
	s1 =	sshrl.u32 s1, $0x2  }
0xb9: {  	s3 =	sand.u32 $0x4000, s31;
	s1 =	sadd.s32 s1, s30  }
0xba: {  	s0 =	sor.u32 s3, s0;
	s1 =	sshll.u32 s1, $0x11  }
0xbb: {  	s0 =	sor.u32 s1, s0  }
0xbc: {  	s0 =	sadd.s32 $0x8F2B, s0  }
0xbd: {  	[sflag:s0] =	ssyncadd.remote.s32 $0x1  }
0xbe: {  	_ =	sfence.sel $0xFFFF  }
0xbf: {  	[dreg:$0x0] =	wrdreg $0xFFFFFFFF;
	(pc) =	sbr.abs _section_cstart, $3  }
0xc0: {  	[dreg:$0x1] =	wrdreg $0xFFFFFFFF  }
0xc1: {  	_ =	task.clear_ibuf [dreg:s7], $0x2FFFF;
	_ =	strace $0x9FFFFFFF  }
0xc2: {  	(tm) =	ssettm $0x7FFFFFFF  }
0xc3: {  	_ =	shalt  }
tec
execute0_lowered:
.L_overlay_start_1:
0x0: {  	(tag) =	ssettag $0x1  }
0x1: {  	s0 =	srdreg.scid;
	s1 =	rddreg [dreg:$0x0]  }
0x2: {  	s2 =	stileid.u32;
	s6 =	rddreg [dreg:$0x1];
	s9 =	simm.s32 $0x2  }
0x3: {  	s18 =	simm.s32 $0x1;
	s20 =	simm.s32 $0x880;
	s21 =	simm.s32 $0x1080  }
0x4: {  	s22 =	simm.s32 $0x1880;
	s28 =	simm.s32 $0x4080;
	s29 =	simm.s32 $0x4880  }
0x5: {  	s30 =	simm.s32 $0x5080;
	s31 =	simm.s32 $0x5880;
	s10 =	simm.s32 $0x7080  }
0x6: {  	s11 =	simm.s32 $0x7880;
	s12 =	simm.s32 $0x8080;
	s13 =	simm.s32 $0x8880  }
0x7: {  	s14 =	simm.s32 $0x9080;
	s15 =	simm.s32 $0x9880;
	s16 =	simm.s32 $0xA080  }
0x8: {  	s17 =	simm.s32 $0xA880;
	s0 =	sand.u32 $0x1, s0;
	s3 =	sshll.u32 s2, $0x7  }
0x9: {  	s2 =	simm.s32 $0x0;
	s5 =	sadd.s32 $0xAA00, s6;
	s4 =	sshll.u32 s0, $0x6  }
0xa: {  	[smem:$0x7FF] =	sst s2;
	s0 =	ssub.s32 $0x2, s0;
	s3 =	sor.u32 s4, s3  }
0xb: {  	_ =	strace $0x80000047;
	s24 =	sshrl.u32 s0, $0x1;
	s4 =	sshrl.u32 s3, $0x3  }
0xc: {  	s23 =	sshll.u32 s3, $0x7;
	s3 =	sadd.s32 $0xA800, s6;
	s0 =	ssub.s32 s0, s24  }
0xd: {  	s24 =	simm.s32 $0x2880;
	s7 =	sadd.s32 s4, s6;
	s1 =	sadd.s32 s1, s23  }
0xe: {  	s4 =	sadd.s32 $0xA900, s6;
	s6 =	sadd.s32 $0xAB00, s6;
	s23 =	simm.s32 $0x2080  }
0xf: {  	v2 =	vlaneseq.u32;
	[dreg:$0x3] =	wrdreg s1;
	s25 =	sadd.s32 $0xA600, s7;
	s26 =	sadd.s32 $0xA400, s7  }
0x10: {  	vm0 =	vmmov $0xffff;
	v1 =	vshrl.u32 v2, $0x3;
	s7 =	smax.u32 s0, $0x1;
	s1 =	simm.s32 $0x6080;
	[dreg:$0x4] =	wrdreg s25  }
0x11: {  	v0 =	vand.u32 $0x7, v2;
	v2 =	vor.u32 $0x8, v2;
	v1 =	vmul.u32 $0x8, v1;
	[dreg:$0x5] =	wrdreg s26;
	s25 =	simm.s32 $0x3080;
	s26 =	simm.s32 $0x3880  }
.LBB2_1:
0x12: {  	s19 =	rddreg [dreg:$0x3];
	s0 =	simm.s32 $0x80  }
0x13: {  	[tilespmem:s0], [sflag:$0x2] =	stream.linear.gather [hbm4b:s19+s2], $0x10000, $0x38;
	[tilespmem:$0x10080] =	vst v63  }
0x14: {  	_ =	swait.ge [sflag:s9], $0x10000  }
0x15: {  	[sflag:s9] =	ssyncset.done $0x0  }
0x16: {  	s8 =	rddreg [dreg:$0x4];
	[sflag:s9] =	ssyncadd.s32 $0xFFFF0000  }
0x17: {  	[tilespmem:s2], [sflag:$0x2] =	stream.linear.gather [hbm4b:s8+s2], $0x40, $0x38;
	[tilespmem:$0x10080] =	vst v63  }
0x18: {  	_ =	swait.ge [sflag:s9], $0x40  }
0x19: {  	[sflag:s9] =	ssyncset.done $0x0  }
0x1a: {  	[sflag:s9] =	ssyncadd.s32 $0xFFFFFFC0  }
0x1b: {  	v3 =	vld [tilespmem:$0x0];
	_ =	sdelay $0x4  }
0x1c: {  	v4 =	vshll.u32 v3, $0x3  }
0x1d: {  	v3 =	vand.u32 $0x7, v3;
	v4 =	vand.u32 $0xFFFFFFC0, v4  }
0x1e: {  	v3 =	vor.u32 v3, v4  }
0x1f: {  	v4 =	vperm.xlane v3, v0;
	_ =	sdelay $0x1  }
0x20: {  	v4 =	vadd.s32 v1, v4;
	_ =	sdelay $0x4  }
0x21: {  	[hbm4b:s3+s2] =	stream.indirect_vreg.scatter [tilespmem:s0], [sflag:$0x1], $0x80, v4, vm0, $0xb8;
	[tilespmem:$0x10080] =	vst v63  }
0x22: {  	v3 =	vperm.xlane v3, v2  }
0x23: {  	[hbm4b:s4+s2] =	stream.indirect_vreg.scatter [tilespmem:s20], [sflag:$0x1], $0x80, v4, vm0, $0xb8;
	[tilespmem:$0x10080] =	vst v63  }
0x24: {  	v3 =	vadd.s32 v1, v3  }
0x25: {  	[hbm4b:s5+s2] =	stream.indirect_vreg.scatter [tilespmem:s21], [sflag:$0x1], $0x80, v4, vm0, $0xb8;
	[tilespmem:$0x10080] =	vst v63  }
0x26: {  	_ = 	snop  }
0x27: {  	[hbm4b:s6+s2] =	stream.indirect_vreg.scatter [tilespmem:s22], [sflag:$0x1], $0x80, v4, vm0, $0xb8;
	[tilespmem:$0x10080] =	vst v63  }
0x28: {  	_ = 	snop  }
0x29: {  	[hbm4b:s3+s2] =	stream.indirect_vreg.scatter [tilespmem:s23], [sflag:$0x1], $0x80, v3, vm0, $0xb8;
	[tilespmem:$0x10080] =	vst v63  }
0x2a: {  	_ = 	snop  }
0x2b: {  	[hbm4b:s4+s2] =	stream.indirect_vreg.scatter [tilespmem:s24], [sflag:$0x1], $0x80, v3, vm0, $0xb8;
	[tilespmem:$0x10080] =	vst v63  }
0x2c: {  	_ = 	snop  }
0x2d: {  	[hbm4b:s5+s2] =	stream.indirect_vreg.scatter [tilespmem:s25], [sflag:$0x1], $0x80, v3, vm0, $0xb8;
	[tilespmem:$0x10080] =	vst v63  }
0x2e: {  	_ = 	snop  }
0x2f: {  	[hbm4b:s6+s2] =	stream.indirect_vreg.scatter [tilespmem:s26], [sflag:$0x1], $0x80, v3, vm0, $0xb8;
	[tilespmem:$0x10080] =	vst v63  }
0x30: {  	v3 =	vld [tilespmem:$0x10];
	_ =	sdelay $0x4  }
0x31: {  	v57 =	vshll.u32 v3, $0x3  }
0x32: {  	v3 =	vand.u32 $0x7, v3;
	v4 =	vand.u32 $0xFFFFFFC0, v57  }
0x33: {  	v3 =	vor.u32 v3, v4  }
0x34: {  	v4 =	vperm.xlane v3, v0;
	_ =	sdelay $0x1  }
0x35: {  	v4 =	vadd.s32 v1, v4;
	_ =	sdelay $0x4  }
0x36: {  	[hbm4b:s3+s2] =	stream.indirect_vreg.scatter [tilespmem:s28], [sflag:$0x1], $0x80, v4, vm0, $0xb8;
	[tilespmem:$0x10080] =	vst v63  }
0x37: {  	v3 =	vperm.xlane v3, v2  }
0x38: {  	[hbm4b:s4+s2] =	stream.indirect_vreg.scatter [tilespmem:s29], [sflag:$0x1], $0x80, v4, vm0, $0xb8;
	[tilespmem:$0x10080] =	vst v63  }
0x39: {  	v3 =	vadd.s32 v1, v3  }
0x3a: {  	[hbm4b:s5+s2] =	stream.indirect_vreg.scatter [tilespmem:s30], [sflag:$0x1], $0x80, v4, vm0, $0xb8;
	[tilespmem:$0x10080] =	vst v63  }
0x3b: {  	_ = 	snop  }
0x3c: {  	[hbm4b:s6+s2] =	stream.indirect_vreg.scatter [tilespmem:s31], [sflag:$0x1], $0x80, v4, vm0, $0xb8;
	[tilespmem:$0x10080] =	vst v63  }
0x3d: {  	_ = 	snop  }
0x3e: {  	[hbm4b:s3+s2] =	stream.indirect_vreg.scatter [tilespmem:s1], [sflag:$0x1], $0x80, v3, vm0, $0xb8;
	[tilespmem:$0x10080] =	vst v63  }
0x3f: {  	s8 =	simm.s32 $0x6880  }
0x40: {  	[hbm4b:s4+s2] =	stream.indirect_vreg.scatter [tilespmem:s8], [sflag:$0x1], $0x80, v3, vm0, $0xb8;
	[tilespmem:$0x10080] =	vst v63  }
0x41: {  	_ = 	snop  }
0x42: {  	[hbm4b:s5+s2] =	stream.indirect_vreg.scatter [tilespmem:s10], [sflag:$0x1], $0x80, v3, vm0, $0xb8;
	[tilespmem:$0x10080] =	vst v63  }
0x43: {  	_ = 	snop  }
0x44: {  	[hbm4b:s6+s2] =	stream.indirect_vreg.scatter [tilespmem:s11], [sflag:$0x1], $0x80, v3, vm0, $0xb8;
	[tilespmem:$0x10080] =	vst v63  }
0x45: {  	v3 =	vld [tilespmem:$0x20];
	_ =	sdelay $0x4  }
0x46: {  	v58 =	vshll.u32 v3, $0x3  }
0x47: {  	v3 =	vand.u32 $0x7, v3;
	v4 =	vand.u32 $0xFFFFFFC0, v58  }
0x48: {  	v3 =	vor.u32 v3, v4  }
0x49: {  	v4 =	vperm.xlane v3, v0;
	_ =	sdelay $0x1  }
0x4a: {  	v4 =	vadd.s32 v1, v4;
	_ =	sdelay $0x4  }
0x4b: {  	[hbm4b:s3+s2] =	stream.indirect_vreg.scatter [tilespmem:s12], [sflag:$0x1], $0x80, v4, vm0, $0xb8;
	[tilespmem:$0x10080] =	vst v63  }
0x4c: {  	v3 =	vperm.xlane v3, v2  }
0x4d: {  	[hbm4b:s4+s2] =	stream.indirect_vreg.scatter [tilespmem:s13], [sflag:$0x1], $0x80, v4, vm0, $0xb8;
	[tilespmem:$0x10080] =	vst v63  }
0x4e: {  	v3 =	vadd.s32 v1, v3  }
0x4f: {  	[hbm4b:s5+s2] =	stream.indirect_vreg.scatter [tilespmem:s14], [sflag:$0x1], $0x80, v4, vm0, $0xb8;
	[tilespmem:$0x10080] =	vst v63  }
0x50: {  	_ = 	snop  }
0x51: {  	[hbm4b:s6+s2] =	stream.indirect_vreg.scatter [tilespmem:s15], [sflag:$0x1], $0x80, v4, vm0, $0xb8;
	[tilespmem:$0x10080] =	vst v63  }
0x52: {  	_ = 	snop  }
0x53: {  	[hbm4b:s3+s2] =	stream.indirect_vreg.scatter [tilespmem:s16], [sflag:$0x1], $0x80, v3, vm0, $0xb8;
	[tilespmem:$0x10080] =	vst v63  }
0x54: {  	_ = 	snop  }
0x55: {  	[hbm4b:s4+s2] =	stream.indirect_vreg.scatter [tilespmem:s17], [sflag:$0x1], $0x80, v3, vm0, $0xb8;
	[tilespmem:$0x10080] =	vst v63  }
0x56: {  	s8 =	simm.s32 $0xB080  }
0x57: {  	[hbm4b:s5+s2] =	stream.indirect_vreg.scatter [tilespmem:s8], [sflag:$0x1], $0x80, v3, vm0, $0xb8;
	[tilespmem:$0x10080] =	vst v63  }
0x58: {  	s19 =	simm.s32 $0xB880  }
0x59: {  	[hbm4b:s6+s2] =	stream.indirect_vreg.scatter [tilespmem:s19], [sflag:$0x1], $0x80, v3, vm0, $0xb8;
	[tilespmem:$0x10080] =	vst v63  }
0x5a: {  	v3 =	vld [tilespmem:$0x30];
	_ =	sdelay $0x4  }
0x5b: {  	v59 =	vshll.u32 v3, $0x3  }
0x5c: {  	v3 =	vand.u32 $0x7, v3;
	v4 =	vand.u32 $0xFFFFFFC0, v59  }
0x5d: {  	v3 =	vor.u32 v3, v4  }
0x5e: {  	v4 =	vperm.xlane v3, v0;
	_ =	sdelay $0x1  }
0x5f: {  	v4 =	vadd.s32 v1, v4;
	_ =	sdelay $0x3  }
0x60: {  	s19 =	simm.s32 $0xC080  }
0x61: {  	[hbm4b:s3+s2] =	stream.indirect_vreg.scatter [tilespmem:s19], [sflag:$0x1], $0x80, v4, vm0, $0xb8;
	[tilespmem:$0x10080] =	vst v63  }
0x62: {  	v3 =	vperm.xlane v3, v2;
	s19 =	simm.s32 $0xC880  }
0x63: {  	[hbm4b:s4+s2] =	stream.indirect_vreg.scatter [tilespmem:s19], [sflag:$0x1], $0x80, v4, vm0, $0xb8;
	[tilespmem:$0x10080] =	vst v63  }
0x64: {  	v3 =	vadd.s32 v1, v3;
	s19 =	simm.s32 $0xD080  }
0x65: {  	[hbm4b:s5+s2] =	stream.indirect_vreg.scatter [tilespmem:s19], [sflag:$0x1], $0x80, v4, vm0, $0xb8;
	[tilespmem:$0x10080] =	vst v63  }
0x66: {  	s19 =	simm.s32 $0xD880  }
0x67: {  	[hbm4b:s6+s2] =	stream.indirect_vreg.scatter [tilespmem:s19], [sflag:$0x1], $0x80, v4, vm0, $0xb8;
	[tilespmem:$0x10080] =	vst v63  }
0x68: {  	s19 =	simm.s32 $0xE080  }
0x69: {  	[hbm4b:s3+s2] =	stream.indirect_vreg.scatter [tilespmem:s19], [sflag:$0x1], $0x80, v3, vm0, $0xb8;
	[tilespmem:$0x10080] =	vst v63  }
0x6a: {  	s19 =	simm.s32 $0xE880  }
0x6b: {  	[hbm4b:s4+s2] =	stream.indirect_vreg.scatter [tilespmem:s19], [sflag:$0x1], $0x80, v3, vm0, $0xb8;
	[tilespmem:$0x10080] =	vst v63  }
0x6c: {  	s19 =	simm.s32 $0xF080  }
0x6d: {  	[hbm4b:s5+s2] =	stream.indirect_vreg.scatter [tilespmem:s19], [sflag:$0x1], $0x80, v3, vm0, $0xb8;
	[tilespmem:$0x10080] =	vst v63  }
0x6e: {  	s19 =	simm.s32 $0xF880  }
0x6f: {  	[hbm4b:s6+s2] =	stream.indirect_vreg.scatter [tilespmem:s19], [sflag:$0x1], $0x80, v3, vm0, $0xb8;
	[tilespmem:$0x10080] =	vst v63  }
0x70: {  	_ =	swait.ge [sflag:s18], $0x10000  }
0x71: {  	[sflag:s18] =	ssyncset.done $0x0  }
0x72: {  	s19 =	rddreg [dreg:$0x5];
	[sflag:s18] =	ssyncadd.s32 $0xFFFF0000  }
0x73: {  	[tilespmem:s2], [sflag:$0x2] =	stream.linear.gather [hbm4b:s19+s2], $0x40, $0x38;
	[tilespmem:$0x10080] =	vst v63  }
0x74: {  	_ =	swait.ge [sflag:s9], $0x40  }
0x75: {  	[sflag:s9] =	ssyncset.done $0x0  }
0x76: {  	[sflag:s9] =	ssyncadd.s32 $0xFFFFFFC0  }
0x77: {  	v3 =	vld [tilespmem:$0x0];
	_ =	sdelay $0x4  }
0x78: {  	v60 =	vshll.u32 v3, $0x3  }
0x79: {  	v3 =	vand.u32 $0x7, v3;
	v4 =	vand.u32 $0xFFFFFFC0, v60  }
0x7a: {  	v3 =	vor.u32 v3, v4  }
0x7b: {  	v4 =	vperm.xlane v3, v0;
	_ =	sdelay $0x1  }
0x7c: {  	v4 =	vadd.s32 v1, v4;
	_ =	sdelay $0x4  }
0x7d: {  	[hbm4b:s3+s2] =	stream.indirect_vreg.scatter [tilespmem:s0], [sflag:$0x1], $0x80, v4, vm0, $0xb8;
	[tilespmem:$0x10080] =	vst v63  }
0x7e: {  	v3 =	vperm.xlane v3, v2  }
0x7f: {  	[hbm4b:s4+s2] =	stream.indirect_vreg.scatter [tilespmem:s20], [sflag:$0x1], $0x80, v4, vm0, $0xb8;
	[tilespmem:$0x10080] =	vst v63  }
0x80: {  	v3 =	vadd.s32 v1, v3  }
0x81: {  	[hbm4b:s5+s2] =	stream.indirect_vreg.scatter [tilespmem:s21], [sflag:$0x1], $0x80, v4, vm0, $0xb8;
	[tilespmem:$0x10080] =	vst v63  }
0x82: {  	_ = 	snop  }
0x83: {  	[hbm4b:s6+s2] =	stream.indirect_vreg.scatter [tilespmem:s22], [sflag:$0x1], $0x80, v4, vm0, $0xb8;
	[tilespmem:$0x10080] =	vst v63  }
0x84: {  	_ = 	snop  }
0x85: {  	[hbm4b:s3+s2] =	stream.indirect_vreg.scatter [tilespmem:s23], [sflag:$0x1], $0x80, v3, vm0, $0xb8;
	[tilespmem:$0x10080] =	vst v63  }
0x86: {  	_ = 	snop  }
0x87: {  	[hbm4b:s4+s2] =	stream.indirect_vreg.scatter [tilespmem:s24], [sflag:$0x1], $0x80, v3, vm0, $0xb8;
	[tilespmem:$0x10080] =	vst v63  }
0x88: {  	_ = 	snop  }
0x89: {  	[hbm4b:s5+s2] =	stream.indirect_vreg.scatter [tilespmem:s25], [sflag:$0x1], $0x80, v3, vm0, $0xb8;
	[tilespmem:$0x10080] =	vst v63  }
0x8a: {  	_ = 	snop  }
0x8b: {  	[hbm4b:s6+s2] =	stream.indirect_vreg.scatter [tilespmem:s26], [sflag:$0x1], $0x80, v3, vm0, $0xb8;
	[tilespmem:$0x10080] =	vst v63  }
0x8c: {  	v3 =	vld [tilespmem:$0x10];
	_ =	sdelay $0x4  }
0x8d: {  	v61 =	vshll.u32 v3, $0x3  }
0x8e: {  	v3 =	vand.u32 $0x7, v3;
	v4 =	vand.u32 $0xFFFFFFC0, v61  }
0x8f: {  	v3 =	vor.u32 v3, v4  }
0x90: {  	v4 =	vperm.xlane v3, v0;
	_ =	sdelay $0x1  }
0x91: {  	v4 =	vadd.s32 v1, v4;
	_ =	sdelay $0x4  }
0x92: {  	[hbm4b:s3+s2] =	stream.indirect_vreg.scatter [tilespmem:s28], [sflag:$0x1], $0x80, v4, vm0, $0xb8;
	[tilespmem:$0x10080] =	vst v63  }
0x93: {  	v3 =	vperm.xlane v3, v2  }
0x94: {  	[hbm4b:s4+s2] =	stream.indirect_vreg.scatter [tilespmem:s29], [sflag:$0x1], $0x80, v4, vm0, $0xb8;
	[tilespmem:$0x10080] =	vst v63  }
0x95: {  	v3 =	vadd.s32 v1, v3  }
0x96: {  	[hbm4b:s5+s2] =	stream.indirect_vreg.scatter [tilespmem:s30], [sflag:$0x1], $0x80, v4, vm0, $0xb8;
	[tilespmem:$0x10080] =	vst v63  }
0x97: {  	_ = 	snop  }
0x98: {  	[hbm4b:s6+s2] =	stream.indirect_vreg.scatter [tilespmem:s31], [sflag:$0x1], $0x80, v4, vm0, $0xb8;
	[tilespmem:$0x10080] =	vst v63  }
0x99: {  	_ = 	snop  }
0x9a: {  	[hbm4b:s3+s2] =	stream.indirect_vreg.scatter [tilespmem:s1], [sflag:$0x1], $0x80, v3, vm0, $0xb8;
	[tilespmem:$0x10080] =	vst v63  }
0x9b: {  	s19 =	simm.s32 $0x6880  }
0x9c: {  	[hbm4b:s4+s2] =	stream.indirect_vreg.scatter [tilespmem:s19], [sflag:$0x1], $0x80, v3, vm0, $0xb8;
	[tilespmem:$0x10080] =	vst v63  }
0x9d: {  	_ = 	snop  }
0x9e: {  	[hbm4b:s5+s2] =	stream.indirect_vreg.scatter [tilespmem:s10], [sflag:$0x1], $0x80, v3, vm0, $0xb8;
	[tilespmem:$0x10080] =	vst v63  }
0x9f: {  	_ = 	snop  }
0xa0: {  	[hbm4b:s6+s2] =	stream.indirect_vreg.scatter [tilespmem:s11], [sflag:$0x1], $0x80, v3, vm0, $0xb8;
	[tilespmem:$0x10080] =	vst v63  }
0xa1: {  	v3 =	vld [tilespmem:$0x20];
	_ =	sdelay $0x4  }
0xa2: {  	v62 =	vshll.u32 v3, $0x3  }
0xa3: {  	v3 =	vand.u32 $0x7, v3;
	v4 =	vand.u32 $0xFFFFFFC0, v62  }
0xa4: {  	v3 =	vor.u32 v3, v4  }
0xa5: {  	v4 =	vperm.xlane v3, v0;
	_ =	sdelay $0x1  }
0xa6: {  	v4 =	vadd.s32 v1, v4;
	_ =	sdelay $0x4  }
0xa7: {  	[hbm4b:s3+s2] =	stream.indirect_vreg.scatter [tilespmem:s12], [sflag:$0x1], $0x80, v4, vm0, $0xb8;
	[tilespmem:$0x10080] =	vst v63  }
0xa8: {  	v3 =	vperm.xlane v3, v2  }
0xa9: {  	[hbm4b:s4+s2] =	stream.indirect_vreg.scatter [tilespmem:s13], [sflag:$0x1], $0x80, v4, vm0, $0xb8;
	[tilespmem:$0x10080] =	vst v63  }
0xaa: {  	v3 =	vadd.s32 v1, v3  }
0xab: {  	[hbm4b:s5+s2] =	stream.indirect_vreg.scatter [tilespmem:s14], [sflag:$0x1], $0x80, v4, vm0, $0xb8;
	[tilespmem:$0x10080] =	vst v63  }
0xac: {  	_ = 	snop  }
0xad: {  	[hbm4b:s6+s2] =	stream.indirect_vreg.scatter [tilespmem:s15], [sflag:$0x1], $0x80, v4, vm0, $0xb8;
	[tilespmem:$0x10080] =	vst v63  }
0xae: {  	_ = 	snop  }
0xaf: {  	[hbm4b:s3+s2] =	stream.indirect_vreg.scatter [tilespmem:s16], [sflag:$0x1], $0x80, v3, vm0, $0xb8;
	[tilespmem:$0x10080] =	vst v63  }
0xb0: {  	_ = 	snop  }
0xb1: {  	[hbm4b:s4+s2] =	stream.indirect_vreg.scatter [tilespmem:s17], [sflag:$0x1], $0x80, v3, vm0, $0xb8;
	[tilespmem:$0x10080] =	vst v63  }
0xb2: {  	_ = 	snop  }
0xb3: {  	[hbm4b:s5+s2] =	stream.indirect_vreg.scatter [tilespmem:s8], [sflag:$0x1], $0x80, v3, vm0, $0xb8;
	[tilespmem:$0x10080] =	vst v63  }
0xb4: {  	s19 =	simm.s32 $0xB880  }
0xb5: {  	[hbm4b:s6+s2] =	stream.indirect_vreg.scatter [tilespmem:s19], [sflag:$0x1], $0x80, v3, vm0, $0xb8;
	[tilespmem:$0x10080] =	vst v63  }
0xb6: {  	v3 =	vld [tilespmem:$0x30];
	_ =	sdelay $0x4  }
0xb7: {  	v63 =	vshll.u32 v3, $0x3  }
0xb8: {  	v3 =	vand.u32 $0x7, v3;
	v4 =	vand.u32 $0xFFFFFFC0, v63  }
0xb9: {  	v3 =	vor.u32 v3, v4  }
0xba: {  	v4 =	vperm.xlane v3, v0;
	_ =	sdelay $0x1  }
0xbb: {  	v4 =	vadd.s32 v1, v4;
	_ =	sdelay $0x3  }
0xbc: {  	s8 =	simm.s32 $0xC080  }
0xbd: {  	[hbm4b:s3+s2] =	stream.indirect_vreg.scatter [tilespmem:s8], [sflag:$0x1], $0x80, v4, vm0, $0xb8;
	[tilespmem:$0x10080] =	vst v63  }
0xbe: {  	s19 =	simm.s32 $0xC880;
	v3 =	vperm.xlane v3, v2  }
0xbf: {  	[hbm4b:s4+s2] =	stream.indirect_vreg.scatter [tilespmem:s19], [sflag:$0x1], $0x80, v4, vm0, $0xb8;
	[tilespmem:$0x10080] =	vst v63  }
0xc0: {  	v3 =	vadd.s32 v1, v3;
	s8 =	simm.s32 $0xD080  }
0xc1: {  	[hbm4b:s5+s2] =	stream.indirect_vreg.scatter [tilespmem:s8], [sflag:$0x1], $0x80, v4, vm0, $0xb8;
	[tilespmem:$0x10080] =	vst v63  }
0xc2: {  	s19 =	simm.s32 $0xD880  }
0xc3: {  	[hbm4b:s6+s2] =	stream.indirect_vreg.scatter [tilespmem:s19], [sflag:$0x1], $0x80, v4, vm0, $0xb8;
	[tilespmem:$0x10080] =	vst v63  }
0xc4: {  	s8 =	simm.s32 $0xE080  }
0xc5: {  	[hbm4b:s3+s2] =	stream.indirect_vreg.scatter [tilespmem:s8], [sflag:$0x1], $0x80, v3, vm0, $0xb8;
	[tilespmem:$0x10080] =	vst v63  }
0xc6: {  	s19 =	simm.s32 $0xE880  }
0xc7: {  	[hbm4b:s4+s2] =	stream.indirect_vreg.scatter [tilespmem:s19], [sflag:$0x1], $0x80, v3, vm0, $0xb8;
	[tilespmem:$0x10080] =	vst v63  }
0xc8: {  	p0 =	sne.s32 s7, $0x1;
	s8 =	simm.s32 $0xF080  }
0xc9: {  	[hbm4b:s5+s2] =	stream.indirect_vreg.scatter [tilespmem:s8], [sflag:$0x1], $0x80, v3, vm0, $0xb8;
	[tilespmem:$0x10080] =	vst v63  }
.Ltmp0:
0xca: {  	s19 =	simm.s32 $0xF880;
	(pc) =	sbr.rel @p0 .LBB2_1-.Ltmp0, $4  }
0xcb: {  	[hbm4b:s6+s2] =	stream.indirect_vreg.scatter [tilespmem:s19], [sflag:$0x1], $0x80, v3, vm0, $0xb8;
	[tilespmem:$0x10080] =	vst v63  }
0xcc: {  	_ =	swait.ge [sflag:s18], $0x10000  }
0xcd: {  	[sflag:s18] =	ssyncset.done $0x0  }
0xce: {  	s7 =	sadd.s32 $0xFFFFFFFF, s7;
	[sflag:s18] =	ssyncadd.s32 $0xFFFF0000  }
0xcf: {  	_ =	sfence.sel $0x180000  }
0xd0: {  	[bflag:$0x0] =	sbarrier.arrive $0xFFFF  }
0xd1: {  	_ =	strace $0x90000047  }
0xd2: {  	s0 =	stileid.u32;
	[bflag:$0x2] =	sbarrier.arrive $0xFFFF  }
0xd3: {  	p0 =	sne.s32 s0, $0x0;
	s0 =	rddreg [dreg:$0x2]  }
0xd4: {  	s0 =	sadd.s32 @!p0 $0x100000, s0  }
0xd5: {  	[sflag:s0] =	ssyncadd.tile.s32 @!p0 $0x1;
	_ =	shalt  }
.Lfunc_end2:
_tile_overlayer_lowered:
.L_overlay_start_2:
0xd6: {  	(tag) =	ssettag $0x2  }
0xd7: {  	s0 =	rddreg [dreg:$0x0];
	s2 =	stileid.u32  }
0xd8: {  	s1 =	rddreg [dreg:$0x1];
	p0 =	sne.s32 s2, $0x0  }
0xd9: {  	s3 =	rddreg [dreg:$0x2];
	[bflag:$0x3] =	sbarrier.arrive $0xFFFF;
	s2 =	simm.s32 @!p0 $0x1C02  }
0xda: {  	[timem:s3], [sflag:s2] =	dma.local @!p0 [hbm:s0], s1  }
0xdb: {  	s0 =	simm.s32 @!p0 $0x2  }
0xdc: {  	_ =	swait.ge @!p0 [sflag:s0], s1  }
0xdd: {  	s1 =	ssub.s32 @!p0 $0x0, s1;
	[sflag:s0] =	ssyncset.done @!p0 $0x0  }
0xde: {  	[sflag:s0] =	ssyncadd.s32 @!p0 s1  }
0xdf: {  	[bflag:$0x3] =	sbarrier.arrive $0xFFFF  }
0xe0: {  	_ =	shalt  }

// kernel: kernel.14.cloned.1.call-start
scs
__scs_entry_jumppad:
0x0: {  	(pc) =	sbr.rel $0x88, $3  }
0x1: {  	(tag) =	ssettag $0x0;
	lr =	simm.s32 $0x1  }
0x2: {  	[smem:$0x3F95] =	sst lr;
	_ =	strace $0xD0000000  }
0x3: {  	_ = 	snop  }
0x4: {  	_ = 	snop  }
0x5: {  	_ = 	snop  }
0x6: {  	_ = 	snop  }
0x7: {  	_ = 	snop  }
__scs_overlays_trampoline_lowered:
0x8: {  	[smem:$0x3FA4] =	sst s0  }
0x9: {  	[smem:$0x3FA5] =	sst s1  }
0xa: {  	[smem:$0x3FA6] =	sst s2  }
0xb: {  	[smem:$0x3FA7] =	sst s3  }
0xc: {  	[smem:$0x3FA8] =	sst s4  }
0xd: {  	[smem:$0x3FA9] =	sst s5  }
0xe: {  	[smem:$0x3FAA] =	sst s6  }
0xf: {  	[smem:$0x3FAB] =	sst s7  }
0x10: {  	[smem:$0x3FAC] =	sst s8  }
0x11: {  	[smem:$0x3FAD] =	sst s9;
	s0 =	simm.s32 @!p0 $0x0  }
0x12: {  	s1 =	sld [smem:$0x3F93];
	s0 =	simm.s32 @p0 $0x1  }
0x13: {  	[smem:$0x3FAE] =	sst s0;
	s0 =	simm.s32 @!p1 $0x0  }
0x14: {  	s2 =	sld [smem:$0x3F92];
	s0 =	simm.s32 @p1 $0x1  }
0x15: {  	[smem:$0x3FAF] =	sst s0;
	s0 =	simm.s32 @!p2 $0x0  }
0x16: {  	s3 =	sld [smem:$0x3FDB];
	s0 =	simm.s32 @p2 $0x1  }
0x17: {  	s4 =	simm.s32 $0x1BF5;
	[smem:$0x3FB1] =	sst s0  }
0x18: {  	s0 =	sld [smem:$0x3F94];
	_ =	swait.ge [sflag:s4], $0x0  }
0x19: {  	s7 =	sld [smem:$0x3F95]  }
0x1a: {  	s8 =	sadd.s32 $0xFFFFE003, lr  }
0x1b: {  	s9 =	sadd.s32 $0xFFFFFEF7, lr;
	s5 =	simm.s32 $0xFFFFFFFF;
	p2 =	slt.u32 s8, $0xFFFFF086  }
0x1c: {  	p1 =	slt.u32 s9, $0xF7A;
	s5 =	simm.s32 @!p2 $0x0  }
0x1d: {  	s5 =	simm.s32 @p1 $0x1;
	p0 =	seq.s32 s7, s2  }
0x1e: {  	s7 =	smul.u32 @!p0 $0xF7A, s2;
	p2 =	seq.s32 @!p0 s5, $0x0  }
0x1f: {  	s9 =	smul.u32 $0xF7A, s1;
	s8 =	simm.s32 @!p0 $0x1BF5;
	p2 =	por !p2, p0  }
0x20: {  	[sflag:s8] =	ssyncset.s32 @!p0 $0xFFFFF086;
	s6 =	sadd.s32 @!p0 s3, s7;
	s7 =	simm.s32 @!p0 $0x108  }
0x21: {  	s3 =	sadd.s32 s3, s9;
	s6 =	sadd.s32 @!p0 $0x88, s6;
	s7 =	simm.s32 @p2 $0x1082  }
0x22: {  	[simem:s7], [sflag:s8] =	dma.local @!p0 [hbm:s6], $0xF7A  }
0x23: {  	s9 =	sor.u32 $0xD0000000, s2;
	s6 =	simm.s32 $0x108;
	_ =	swait.ge @!p0 [sflag:s8], $0x0  }
0x24: {  	s3 =	sadd.s32 $0x88, s3;
	s6 =	simm.s32 @!p1 $0x1082;
	[sflag:s4] =	ssyncset.s32 $0xFFFFF086  }
0x25: {  	[simem:s6], [sflag:s4] =	dma.local [hbm:s3], $0xF7A  }
0x26: {  	[smem:$0x3F95] =	sst s1;
	(tag) =	ssettag s2;
	_ =	strace s9  }
0x27: {  	s1 =	sld [smem:$0x3FA5]  }
0x28: {  	s2 =	sld [smem:$0x3FA6]  }
0x29: {  	s4 =	sld [smem:$0x3FA8]  }
0x2a: {  	p0 =	seq.s32 s5, $0x0;
	s5 =	sld [smem:$0x3FA9]  }
0x2b: {  	s6 =	sld [smem:$0x3FAA]  }
0x2c: {  	s7 =	sld [smem:$0x3FAB]  }
0x2d: {  	s3 =	simm.s32 $0x108;
	s8 =	sld [smem:$0x3FAC]  }
0x2e: {  	s3 =	simm.s32 @!p0 $0x1082;
	s9 =	sld [smem:$0x3FAD]  }
0x2f: {  	lr =	sadd.s32 s0, s3;
	s0 =	sld [smem:$0x3FA4]  }
0x30: {  	s3 =	sld [smem:$0x3FA7]  }
0x31: {  	[smem:$0x3FB0] =	sst s10  }
0x32: {  	s10 =	sld [smem:$0x3FAE];
	_ =	sdelay $0x3  }
0x33: {  	p0 =	seq.s32 s10, $0x1;
	s10 =	sld [smem:$0x3FB0];
	_ =	sdelay $0x3  }
0x34: {  	[smem:$0x3FB0] =	sst s10  }
0x35: {  	s10 =	sld [smem:$0x3FAF];
	_ =	sdelay $0x3  }
0x36: {  	p1 =	seq.s32 s10, $0x1;
	s10 =	sld [smem:$0x3FB0];
	_ =	sdelay $0x3  }
0x37: {  	[smem:$0x3FB0] =	sst s10  }
0x38: {  	s10 =	sld [smem:$0x3FB1]  }
0x39: {  	_ = 	snop;
	(pc) =	sbr.ind lr, $3  }
0x3a: {  	_ = 	snop  }
0x3b: {  	_ = 	snop  }
0x3c: {  	p2 =	seq.s32 s10, $0x1;
	s10 =	sld [smem:$0x3FB0]  }
0x3d: {  	_ =	shalt  }
0x3e: {  	_ =	shalt  }
0x3f: {  	_ =	shalt  }
0x40: {  	_ =	shalt  }
0x41: {  	_ =	shalt  }
0x42: {  	_ =	shalt  }
0x43: {  	_ =	shalt  }
0x44: {  	_ =	shalt  }
0x45: {  	_ =	shalt  }
0x46: {  	_ =	shalt  }
0x47: {  	_ =	shalt  }
0x48: {  	_ =	shalt  }
0x49: {  	_ =	shalt  }
0x4a: {  	_ =	shalt  }
0x4b: {  	_ =	shalt  }
0x4c: {  	_ =	shalt  }
0x4d: {  	_ =	shalt  }
0x4e: {  	_ =	shalt  }
0x4f: {  	_ =	shalt  }
0x50: {  	_ =	shalt  }
0x51: {  	_ =	shalt  }
0x52: {  	_ =	shalt  }
0x53: {  	_ =	shalt  }
0x54: {  	_ =	shalt  }
0x55: {  	_ =	shalt  }
0x56: {  	_ =	shalt  }
0x57: {  	_ =	shalt  }
0x58: {  	_ =	shalt  }
0x59: {  	_ =	shalt  }
0x5a: {  	_ =	shalt  }
0x5b: {  	_ =	shalt  }
0x5c: {  	_ =	shalt  }
0x5d: {  	_ =	shalt  }
0x5e: {  	_ =	shalt  }
0x5f: {  	_ =	shalt  }
0x60: {  	_ =	shalt  }
0x61: {  	_ =	shalt  }
0x62: {  	_ =	shalt  }
0x63: {  	_ =	shalt  }
0x64: {  	_ =	shalt  }
0x65: {  	_ =	shalt  }
0x66: {  	_ =	shalt  }
0x67: {  	_ =	shalt  }
0x68: {  	_ =	shalt  }
0x69: {  	_ =	shalt  }
0x6a: {  	_ =	shalt  }
0x6b: {  	_ =	shalt  }
0x6c: {  	_ =	shalt  }
0x6d: {  	_ =	shalt  }
0x6e: {  	_ =	shalt  }
0x6f: {  	_ =	shalt  }
0x70: {  	_ =	shalt  }
0x71: {  	_ =	shalt  }
0x72: {  	_ =	shalt  }
0x73: {  	_ =	shalt  }
0x74: {  	_ =	shalt  }
0x75: {  	_ =	shalt  }
0x76: {  	_ =	shalt  }
0x77: {  	_ =	shalt  }
0x78: {  	_ =	shalt  }
0x79: {  	_ =	shalt  }
0x7a: {  	_ =	shalt  }
0x7b: {  	_ =	shalt  }
0x7c: {  	_ =	shalt  }
0x7d: {  	_ =	shalt  }
0x7e: {  	_ =	shalt  }
0x7f: {  	_ =	shalt  }
0x80: {  	_ =	shalt  }
0x81: {  	_ =	shalt  }
0x82: {  	_ =	shalt  }
0x83: {  	_ =	shalt  }
0x84: {  	_ =	shalt  }
0x85: {  	_ =	shalt  }
0x86: {  	_ =	shalt  }
0x87: {  	_ =	shalt  }
.Lfunc_end0:
.L_simem_size_0:
called_computation.1_lowered:
.L_overlay_start_0:
0x88: {  	s2 =	sld [smem:$0x3FD9]  }
0x89: {  	s3 =	sld [smem:$0x3FFE];
	_ =	sdelay $0x1  }
0x8a: {  	s1 =	srdreg.scid  }
0x8b: {  	s0 =	sand.u32 $0x1, s1  }
0x8c: {  	s17 =	sshll.u32 s0, $0xA;
	s2 =	sadd.s32 s3, s2  }
0x8d: {  	s2 =	sadd.s32 s2, s17  }
0x8e: {  	[smem:$0x3FBC] =	sst s2  }
0x8f: {  	_ = 	snop  }
0x90: {  	s2 =	sld [smem:$0x3FD0];
	(tm) =	ssettm $0x1  }
0x91: {  	s18 =	sld [smem:$0x3FFB];
	_ =	sdelay $0x3  }
0x92: {  	_ =	strace s18  }
0x93: {  	s3 =	sld [smem:$0x3FFC];
	_ =	sdelay $0x3  }
0x94: {  	_ =	strace s3  }
0x95: {  	s3 =	sld [smem:$0x3FFD];
	_ =	sdelay $0x3  }
0x96: {  	_ =	strace s3  }
0x97: {  	_ =	strace $0x8FFFFFFF  }
0x98: {  	s19 =	sld [smem:$0x3FDB];
	_ =	sdelay $0x1  }
0x99: {  	s4 =	simm.s32 $_scs_section_size  }
0x9a: {  	s5 =	simm.s32 $_size__tile_overlayer_lowered;
	s6 =	simm.s32 $_tile_overlayer_lowered  }
0x9b: {  	s22 =	simm.s32 $0x1BFF;
	s21 =	sshll.u32 s6, $0x1;
	s3 =	sadd.s32 s4, s19  }
0x9c: {  	s7 =	simm.s32 $0x0;
	s20 =	sshll.u32 s5, $0x1;
	s5 =	sadd.s32 s21, s3  }
0x9d: {  	[timem:s7], [sflag:s22] =	dma.local [hbm:s5], s20  }
0x9e: {  	_ =	swait.ge [sflag:s22], s20  }
0x9f: {  	s4 =	ssub.s32 $0x0, s20;
	[sflag:s22] =	ssyncset.done $0x0  }
0xa0: {  	[sflag:s22] =	ssyncadd.s32 s4;
	_ =	sdelay $0x1  }
0xa1: {  	s23 =	simm.s32 $0x1B8B  }
0xa2: {  	_ =	swait.ge [sflag:s23], $0x1  }
0xa3: {  	[sflag:s23] =	ssyncset.done $0x0  }
0xa4: {  	s25 =	simm.s32 $0x1B8E;
	s24 =	sld [smem:$0x3FFE];
	[sflag:s23] =	ssyncadd.s32 $0xFFFFFFFF  }
0xa5: {  	s26 =	simm.s32 $execute0_lowered;
	[smem:$0x3FD2] =	sst s25  }
0xa6: {  	s5 =	sshll.u32 s26, $0x1;
	_ =	strace $0x80000049;
	[dreg:$0x1] =	wrdreg $0xFFFFFFFF  }
0xa7: {  	s28 =	simm.s32 $_size_execute0_lowered;
	s3 =	sadd.s32 s3, s5;
	[dreg:$0x0] =	wrdreg $0x0  }
0xa8: {  	s5 =	sshll.u32 s28, $0x1;
	[dreg:$0x2] =	wrdreg s3  }
0xa9: {  	[dreg:$0x3] =	wrdreg s5  }
0xaa: {  	[dreg:$0x4] =	wrdreg $0xC0  }
0xab: {  	_ =	task [dreg:s7], $0x5FFFF  }
0xac: {  	[dreg:$0x1] =	wrdreg $0xFFFFFFFF  }
0xad: {  	[dreg:$0x0] =	wrdreg $0x60  }
0xae: {  	[dreg:$0x2] =	wrdreg s24  }
0xaf: {  	[dreg:$0x3] =	wrdreg s2  }
0xb0: {  	[dreg:$0x4] =	wrdreg $0x9  }
0xb1: {  	_ =	task.clear_ibuf [dreg:s7], $0x5FFFF;
	_ =	strace $0x90000049  }
0xb2: {  	s29 =	simm.s32 $0x9;
	_ =	strace $0x8000004B  }
0xb3: {  	_ =	swait.ge [sflag:s29], $0x1  }
0xb4: {  	[sflag:s29] =	ssyncadd.s32 $0xFFFFFFFF  }
0xb5: {  	_ =	strace $0x9000004B  }
0xb6: {  	_ =	sfence  }
0xb7: {  	s30 =	sld [smem:$0x0];
	_ =	sdelay $0x2  }
0xb8: {  	s31 =	sshll.u32 s1, $0xD;
	s1 =	sshrl.u32 s1, $0x2  }
0xb9: {  	s3 =	sand.u32 $0x4000, s31;
	s1 =	sadd.s32 s1, s30  }
0xba: {  	s0 =	sor.u32 s3, s0;
	s1 =	sshll.u32 s1, $0x11  }
0xbb: {  	s0 =	sor.u32 s1, s0  }
0xbc: {  	s0 =	sadd.s32 $0x8F2B, s0  }
0xbd: {  	[sflag:s0] =	ssyncadd.remote.s32 $0x1  }
0xbe: {  	_ =	sfence.sel $0xFFFF  }
0xbf: {  	[dreg:$0x0] =	wrdreg $0xFFFFFFFF;
	(pc) =	sbr.abs _section_cstart, $3  }
0xc0: {  	[dreg:$0x1] =	wrdreg $0xFFFFFFFF  }
0xc1: {  	_ =	task.clear_ibuf [dreg:s7], $0x2FFFF;
	_ =	strace $0x9FFFFFFF  }
0xc2: {  	(tm) =	ssettm $0x7FFFFFFF  }
0xc3: {  	_ =	shalt  }
tec
execute0_lowered:
.L_overlay_start_1:
0x0: {  	(tag) =	ssettag $0x1  }
0x1: {  	s0 =	rddreg [dreg:$0x0]  }
0x2: {  	s1 =	rddreg [dreg:$0x1];
	s3 =	srdreg.scid  }
0x3: {  	s2 =	simm.s32 $0x0;
	s5 =	stileid.u32;
	s18 =	simm.s32 $0x1  }
0x4: {  	s20 =	simm.s32 $0x880;
	s21 =	simm.s32 $0x1080;
	s28 =	simm.s32 $0x4080  }
0x5: {  	s29 =	simm.s32 $0x4880;
	s30 =	simm.s32 $0x5080;
	s31 =	simm.s32 $0x5880  }
0x6: {  	s10 =	simm.s32 $0x7080;
	s11 =	simm.s32 $0x7880;
	s12 =	simm.s32 $0x8080  }
0x7: {  	s13 =	simm.s32 $0x8880;
	s14 =	simm.s32 $0x9080;
	s15 =	simm.s32 $0x9880  }
0x8: {  	s16 =	simm.s32 $0xA080;
	s17 =	simm.s32 $0xA880;
	s9 =	simm.s32 $0xB080  }
0x9: {  	s4 =	sand.u32 $0x1, s3;
	[smem:$0x7FF] =	sst s2;
	s22 =	sshll.u32 s5, $0x7  }
0xa: {  	s3 =	sadd.s32 $0xA800, s0;
	s23 =	sshll.u32 s4, $0x6;
	s4 =	ssub.s32 $0x2, s4  }
0xb: {  	_ =	strace $0x8000004A;
	s5 =	sor.u32 s23, s22;
	s7 =	sshrl.u32 s4, $0x1  }
0xc: {  	s22 =	simm.s32 $0x1880;
	s23 =	simm.s32 $0x2080;
	s6 =	sshrl.u32 s5, $0x3  }
0xd: {  	s5 =	sshll.u32 s5, $0x7;
	s7 =	ssub.s32 s4, s7;
	s4 =	sadd.s32 $0xA900, s0  }
0xe: {  	s6 =	sadd.s32 s6, s0;
	s8 =	sadd.s32 s5, s0;
	s1 =	sadd.s32 s1, s5  }
0xf: {  	s5 =	sadd.s32 $0xAA00, s0;
	s24 =	sadd.s32 $0xA600, s6;
	[dreg:$0x4] =	wrdreg s1  }
0x10: {  	s7 =	smax.u32 s7, $0x1;
	s25 =	sadd.s32 $0xA400, s6;
	[dreg:$0x3] =	wrdreg s24  }
0x11: {  	v2 =	vlaneseq.u32;
	s6 =	sadd.s32 $0xAB00, s0;
	s26 =	sadd.s32 $0xAA800, s8;
	[dreg:$0x5] =	wrdreg s25  }
0x12: {  	vm0 =	vmmov $0xffff;
	v1 =	vshrl.u32 v2, $0x3;
	s8 =	simm.s32 $0x2;
	s0 =	simm.s32 $0x80;
	[dreg:$0x6] =	wrdreg s26  }
0x13: {  	v0 =	vand.u32 $0x7, v2;
	v2 =	vor.u32 $0x8, v2;
	v1 =	vmul.u32 $0x8, v1;
	s24 =	simm.s32 $0x2880;
	s25 =	simm.s32 $0x3080;
	s26 =	simm.s32 $0x3880  }
.LBB2_1:
0x14: {  	s19 =	rddreg [dreg:$0x3]  }
0x15: {  	[tilespmem:s2], [sflag:$0x2] =	stream.linear.gather [hbm4b:s19+s2], $0x40, $0x38;
	[tilespmem:$0x10080] =	vst v63  }
0x16: {  	_ =	swait.ge [sflag:s8], $0x40  }
0x17: {  	[sflag:s8] =	ssyncset.done $0x0  }
0x18: {  	[sflag:s8] =	ssyncadd.s32 $0xFFFFFFC0  }
0x19: {  	v3 =	vld [tilespmem:$0x0];
	_ =	sdelay $0x4  }
0x1a: {  	v4 =	vshll.u32 v3, $0x3  }
0x1b: {  	v3 =	vand.u32 $0x7, v3;
	v4 =	vand.u32 $0xFFFFFFC0, v4  }
0x1c: {  	v3 =	vor.u32 v3, v4  }
0x1d: {  	v4 =	vperm.xlane v3, v0;
	_ =	sdelay $0x1  }
0x1e: {  	v4 =	vadd.s32 v1, v4;
	_ =	sdelay $0x4  }
0x1f: {  	[tilespmem:s0], [sflag:$0x1] =	stream.indirect_vreg.gather [hbm4b:s3+s2], $0x80, v4, vm0, $0xb8;
	[tilespmem:$0x10080] =	vst v63  }
0x20: {  	v3 =	vperm.xlane v3, v2  }
0x21: {  	[tilespmem:s20], [sflag:$0x1] =	stream.indirect_vreg.gather [hbm4b:s4+s2], $0x80, v4, vm0, $0xb8;
	[tilespmem:$0x10080] =	vst v63  }
0x22: {  	v3 =	vadd.s32 v1, v3  }
0x23: {  	[tilespmem:s21], [sflag:$0x1] =	stream.indirect_vreg.gather [hbm4b:s5+s2], $0x80, v4, vm0, $0xb8;
	[tilespmem:$0x10080] =	vst v63  }
0x24: {  	_ = 	snop  }
0x25: {  	[tilespmem:s22], [sflag:$0x1] =	stream.indirect_vreg.gather [hbm4b:s6+s2], $0x80, v4, vm0, $0xb8;
	[tilespmem:$0x10080] =	vst v63  }
0x26: {  	_ = 	snop  }
0x27: {  	[tilespmem:s23], [sflag:$0x1] =	stream.indirect_vreg.gather [hbm4b:s3+s2], $0x80, v3, vm0, $0xb8;
	[tilespmem:$0x10080] =	vst v63  }
0x28: {  	_ = 	snop  }
0x29: {  	[tilespmem:s24], [sflag:$0x1] =	stream.indirect_vreg.gather [hbm4b:s4+s2], $0x80, v3, vm0, $0xb8;
	[tilespmem:$0x10080] =	vst v63  }
0x2a: {  	_ = 	snop  }
0x2b: {  	[tilespmem:s25], [sflag:$0x1] =	stream.indirect_vreg.gather [hbm4b:s5+s2], $0x80, v3, vm0, $0xb8;
	[tilespmem:$0x10080] =	vst v63  }
0x2c: {  	_ = 	snop  }
0x2d: {  	[tilespmem:s26], [sflag:$0x1] =	stream.indirect_vreg.gather [hbm4b:s6+s2], $0x80, v3, vm0, $0xb8;
	[tilespmem:$0x10080] =	vst v63  }
0x2e: {  	v3 =	vld [tilespmem:$0x10];
	_ =	sdelay $0x4  }
0x2f: {  	v57 =	vshll.u32 v3, $0x3  }
0x30: {  	v3 =	vand.u32 $0x7, v3;
	v4 =	vand.u32 $0xFFFFFFC0, v57  }
0x31: {  	v3 =	vor.u32 v3, v4  }
0x32: {  	v4 =	vperm.xlane v3, v0;
	_ =	sdelay $0x1  }
0x33: {  	v4 =	vadd.s32 v1, v4;
	_ =	sdelay $0x4  }
0x34: {  	[tilespmem:s28], [sflag:$0x1] =	stream.indirect_vreg.gather [hbm4b:s3+s2], $0x80, v4, vm0, $0xb8;
	[tilespmem:$0x10080] =	vst v63  }
0x35: {  	v3 =	vperm.xlane v3, v2  }
0x36: {  	[tilespmem:s29], [sflag:$0x1] =	stream.indirect_vreg.gather [hbm4b:s4+s2], $0x80, v4, vm0, $0xb8;
	[tilespmem:$0x10080] =	vst v63  }
0x37: {  	v3 =	vadd.s32 v1, v3  }
0x38: {  	[tilespmem:s30], [sflag:$0x1] =	stream.indirect_vreg.gather [hbm4b:s5+s2], $0x80, v4, vm0, $0xb8;
	[tilespmem:$0x10080] =	vst v63  }
0x39: {  	_ = 	snop  }
0x3a: {  	[tilespmem:s31], [sflag:$0x1] =	stream.indirect_vreg.gather [hbm4b:s6+s2], $0x80, v4, vm0, $0xb8;
	[tilespmem:$0x10080] =	vst v63  }
0x3b: {  	s1 =	simm.s32 $0x6080  }
0x3c: {  	[tilespmem:s1], [sflag:$0x1] =	stream.indirect_vreg.gather [hbm4b:s3+s2], $0x80, v3, vm0, $0xb8;
	[tilespmem:$0x10080] =	vst v63  }
0x3d: {  	s1 =	simm.s32 $0x6880  }
0x3e: {  	[tilespmem:s1], [sflag:$0x1] =	stream.indirect_vreg.gather [hbm4b:s4+s2], $0x80, v3, vm0, $0xb8;
	[tilespmem:$0x10080] =	vst v63  }
0x3f: {  	_ = 	snop  }
0x40: {  	[tilespmem:s10], [sflag:$0x1] =	stream.indirect_vreg.gather [hbm4b:s5+s2], $0x80, v3, vm0, $0xb8;
	[tilespmem:$0x10080] =	vst v63  }
0x41: {  	_ = 	snop  }
0x42: {  	[tilespmem:s11], [sflag:$0x1] =	stream.indirect_vreg.gather [hbm4b:s6+s2], $0x80, v3, vm0, $0xb8;
	[tilespmem:$0x10080] =	vst v63  }
0x43: {  	v3 =	vld [tilespmem:$0x20];
	_ =	sdelay $0x4  }
0x44: {  	v58 =	vshll.u32 v3, $0x3  }
0x45: {  	v3 =	vand.u32 $0x7, v3;
	v4 =	vand.u32 $0xFFFFFFC0, v58  }
0x46: {  	v3 =	vor.u32 v3, v4  }
0x47: {  	v4 =	vperm.xlane v3, v0;
	_ =	sdelay $0x1  }
0x48: {  	v4 =	vadd.s32 v1, v4;
	_ =	sdelay $0x4  }
0x49: {  	[tilespmem:s12], [sflag:$0x1] =	stream.indirect_vreg.gather [hbm4b:s3+s2], $0x80, v4, vm0, $0xb8;
	[tilespmem:$0x10080] =	vst v63  }
0x4a: {  	v3 =	vperm.xlane v3, v2  }
0x4b: {  	[tilespmem:s13], [sflag:$0x1] =	stream.indirect_vreg.gather [hbm4b:s4+s2], $0x80, v4, vm0, $0xb8;
	[tilespmem:$0x10080] =	vst v63  }
0x4c: {  	v3 =	vadd.s32 v1, v3  }
0x4d: {  	[tilespmem:s14], [sflag:$0x1] =	stream.indirect_vreg.gather [hbm4b:s5+s2], $0x80, v4, vm0, $0xb8;
	[tilespmem:$0x10080] =	vst v63  }
0x4e: {  	_ = 	snop  }
0x4f: {  	[tilespmem:s15], [sflag:$0x1] =	stream.indirect_vreg.gather [hbm4b:s6+s2], $0x80, v4, vm0, $0xb8;
	[tilespmem:$0x10080] =	vst v63  }
0x50: {  	_ = 	snop  }
0x51: {  	[tilespmem:s16], [sflag:$0x1] =	stream.indirect_vreg.gather [hbm4b:s3+s2], $0x80, v3, vm0, $0xb8;
	[tilespmem:$0x10080] =	vst v63  }
0x52: {  	_ = 	snop  }
0x53: {  	[tilespmem:s17], [sflag:$0x1] =	stream.indirect_vreg.gather [hbm4b:s4+s2], $0x80, v3, vm0, $0xb8;
	[tilespmem:$0x10080] =	vst v63  }
0x54: {  	_ = 	snop  }
0x55: {  	[tilespmem:s9], [sflag:$0x1] =	stream.indirect_vreg.gather [hbm4b:s5+s2], $0x80, v3, vm0, $0xb8;
	[tilespmem:$0x10080] =	vst v63  }
0x56: {  	s19 =	simm.s32 $0xB880  }
0x57: {  	[tilespmem:s19], [sflag:$0x1] =	stream.indirect_vreg.gather [hbm4b:s6+s2], $0x80, v3, vm0, $0xb8;
	[tilespmem:$0x10080] =	vst v63  }
0x58: {  	v3 =	vld [tilespmem:$0x30];
	_ =	sdelay $0x4  }
0x59: {  	v59 =	vshll.u32 v3, $0x3  }
0x5a: {  	v3 =	vand.u32 $0x7, v3;
	v4 =	vand.u32 $0xFFFFFFC0, v59  }
0x5b: {  	v3 =	vor.u32 v3, v4  }
0x5c: {  	v4 =	vperm.xlane v3, v0;
	_ =	sdelay $0x1  }
0x5d: {  	v4 =	vadd.s32 v1, v4;
	_ =	sdelay $0x3  }
0x5e: {  	s19 =	simm.s32 $0xC080  }
0x5f: {  	[tilespmem:s19], [sflag:$0x1] =	stream.indirect_vreg.gather [hbm4b:s3+s2], $0x80, v4, vm0, $0xb8;
	[tilespmem:$0x10080] =	vst v63  }
0x60: {  	v3 =	vperm.xlane v3, v2;
	s19 =	simm.s32 $0xC880  }
0x61: {  	[tilespmem:s19], [sflag:$0x1] =	stream.indirect_vreg.gather [hbm4b:s4+s2], $0x80, v4, vm0, $0xb8;
	[tilespmem:$0x10080] =	vst v63  }
0x62: {  	v3 =	vadd.s32 v1, v3;
	s19 =	simm.s32 $0xD080  }
0x63: {  	[tilespmem:s19], [sflag:$0x1] =	stream.indirect_vreg.gather [hbm4b:s5+s2], $0x80, v4, vm0, $0xb8;
	[tilespmem:$0x10080] =	vst v63  }
0x64: {  	s19 =	simm.s32 $0xD880  }
0x65: {  	[tilespmem:s19], [sflag:$0x1] =	stream.indirect_vreg.gather [hbm4b:s6+s2], $0x80, v4, vm0, $0xb8;
	[tilespmem:$0x10080] =	vst v63  }
0x66: {  	s19 =	simm.s32 $0xE080  }
0x67: {  	[tilespmem:s19], [sflag:$0x1] =	stream.indirect_vreg.gather [hbm4b:s3+s2], $0x80, v3, vm0, $0xb8;
	[tilespmem:$0x10080] =	vst v63  }
0x68: {  	s19 =	simm.s32 $0xE880  }
0x69: {  	[tilespmem:s19], [sflag:$0x1] =	stream.indirect_vreg.gather [hbm4b:s4+s2], $0x80, v3, vm0, $0xb8;
	[tilespmem:$0x10080] =	vst v63  }
0x6a: {  	s19 =	simm.s32 $0xF080  }
0x6b: {  	[tilespmem:s19], [sflag:$0x1] =	stream.indirect_vreg.gather [hbm4b:s5+s2], $0x80, v3, vm0, $0xb8;
	[tilespmem:$0x10080] =	vst v63  }
0x6c: {  	s19 =	simm.s32 $0xF880  }
0x6d: {  	[tilespmem:s19], [sflag:$0x1] =	stream.indirect_vreg.gather [hbm4b:s6+s2], $0x80, v3, vm0, $0xb8;
	[tilespmem:$0x10080] =	vst v63  }
0x6e: {  	_ =	swait.ge [sflag:s18], $0x10000  }
0x6f: {  	[sflag:s18] =	ssyncset.done $0x0  }
0x70: {  	s19 =	rddreg [dreg:$0x4];
	[sflag:s18] =	ssyncadd.s32 $0xFFFF0000  }
0x71: {  	[hbm4b:s19+s2] =	stream.linear.scatter [tilespmem:s0], [sflag:$0x2], $0x10000, $0x38;
	[tilespmem:$0x10080] =	vst v63  }
0x72: {  	_ =	swait.ge [sflag:s8], $0x10000  }
0x73: {  	[sflag:s8] =	ssyncset.done $0x0  }
0x74: {  	s19 =	rddreg [dreg:$0x5];
	[sflag:s8] =	ssyncadd.s32 $0xFFFF0000  }
0x75: {  	[tilespmem:s2], [sflag:$0x2] =	stream.linear.gather [hbm4b:s19+s2], $0x40, $0x38;
	[tilespmem:$0x10080] =	vst v63  }
0x76: {  	_ =	swait.ge [sflag:s8], $0x40  }
0x77: {  	[sflag:s8] =	ssyncset.done $0x0  }
0x78: {  	[sflag:s8] =	ssyncadd.s32 $0xFFFFFFC0  }
0x79: {  	v3 =	vld [tilespmem:$0x0];
	_ =	sdelay $0x4  }
0x7a: {  	v60 =	vshll.u32 v3, $0x3  }
0x7b: {  	v3 =	vand.u32 $0x7, v3;
	v4 =	vand.u32 $0xFFFFFFC0, v60  }
0x7c: {  	v3 =	vor.u32 v3, v4  }
0x7d: {  	v4 =	vperm.xlane v3, v0;
	_ =	sdelay $0x1  }
0x7e: {  	v4 =	vadd.s32 v1, v4;
	_ =	sdelay $0x4  }
0x7f: {  	[tilespmem:s0], [sflag:$0x1] =	stream.indirect_vreg.gather [hbm4b:s3+s2], $0x80, v4, vm0, $0xb8;
	[tilespmem:$0x10080] =	vst v63  }
0x80: {  	v3 =	vperm.xlane v3, v2  }
0x81: {  	[tilespmem:s20], [sflag:$0x1] =	stream.indirect_vreg.gather [hbm4b:s4+s2], $0x80, v4, vm0, $0xb8;
	[tilespmem:$0x10080] =	vst v63  }
0x82: {  	v3 =	vadd.s32 v1, v3  }
0x83: {  	[tilespmem:s21], [sflag:$0x1] =	stream.indirect_vreg.gather [hbm4b:s5+s2], $0x80, v4, vm0, $0xb8;
	[tilespmem:$0x10080] =	vst v63  }
0x84: {  	_ = 	snop  }
0x85: {  	[tilespmem:s22], [sflag:$0x1] =	stream.indirect_vreg.gather [hbm4b:s6+s2], $0x80, v4, vm0, $0xb8;
	[tilespmem:$0x10080] =	vst v63  }
0x86: {  	_ = 	snop  }
0x87: {  	[tilespmem:s23], [sflag:$0x1] =	stream.indirect_vreg.gather [hbm4b:s3+s2], $0x80, v3, vm0, $0xb8;
	[tilespmem:$0x10080] =	vst v63  }
0x88: {  	_ = 	snop  }
0x89: {  	[tilespmem:s24], [sflag:$0x1] =	stream.indirect_vreg.gather [hbm4b:s4+s2], $0x80, v3, vm0, $0xb8;
	[tilespmem:$0x10080] =	vst v63  }
0x8a: {  	_ = 	snop  }
0x8b: {  	[tilespmem:s25], [sflag:$0x1] =	stream.indirect_vreg.gather [hbm4b:s5+s2], $0x80, v3, vm0, $0xb8;
	[tilespmem:$0x10080] =	vst v63  }
0x8c: {  	_ = 	snop  }
0x8d: {  	[tilespmem:s26], [sflag:$0x1] =	stream.indirect_vreg.gather [hbm4b:s6+s2], $0x80, v3, vm0, $0xb8;
	[tilespmem:$0x10080] =	vst v63  }
0x8e: {  	v3 =	vld [tilespmem:$0x10];
	_ =	sdelay $0x4  }
0x8f: {  	v61 =	vshll.u32 v3, $0x3  }
0x90: {  	v3 =	vand.u32 $0x7, v3;
	v4 =	vand.u32 $0xFFFFFFC0, v61  }
0x91: {  	v3 =	vor.u32 v3, v4  }
0x92: {  	v4 =	vperm.xlane v3, v0;
	_ =	sdelay $0x1  }
0x93: {  	v4 =	vadd.s32 v1, v4;
	_ =	sdelay $0x4  }
0x94: {  	[tilespmem:s28], [sflag:$0x1] =	stream.indirect_vreg.gather [hbm4b:s3+s2], $0x80, v4, vm0, $0xb8;
	[tilespmem:$0x10080] =	vst v63  }
0x95: {  	v3 =	vperm.xlane v3, v2  }
0x96: {  	[tilespmem:s29], [sflag:$0x1] =	stream.indirect_vreg.gather [hbm4b:s4+s2], $0x80, v4, vm0, $0xb8;
	[tilespmem:$0x10080] =	vst v63  }
0x97: {  	v3 =	vadd.s32 v1, v3  }
0x98: {  	[tilespmem:s30], [sflag:$0x1] =	stream.indirect_vreg.gather [hbm4b:s5+s2], $0x80, v4, vm0, $0xb8;
	[tilespmem:$0x10080] =	vst v63  }
0x99: {  	_ = 	snop  }
0x9a: {  	[tilespmem:s31], [sflag:$0x1] =	stream.indirect_vreg.gather [hbm4b:s6+s2], $0x80, v4, vm0, $0xb8;
	[tilespmem:$0x10080] =	vst v63  }
0x9b: {  	s19 =	simm.s32 $0x6080  }
0x9c: {  	[tilespmem:s19], [sflag:$0x1] =	stream.indirect_vreg.gather [hbm4b:s3+s2], $0x80, v3, vm0, $0xb8;
	[tilespmem:$0x10080] =	vst v63  }
0x9d: {  	_ = 	snop  }
0x9e: {  	[tilespmem:s1], [sflag:$0x1] =	stream.indirect_vreg.gather [hbm4b:s4+s2], $0x80, v3, vm0, $0xb8;
	[tilespmem:$0x10080] =	vst v63  }
0x9f: {  	_ = 	snop  }
0xa0: {  	[tilespmem:s10], [sflag:$0x1] =	stream.indirect_vreg.gather [hbm4b:s5+s2], $0x80, v3, vm0, $0xb8;
	[tilespmem:$0x10080] =	vst v63  }
0xa1: {  	_ = 	snop  }
0xa2: {  	[tilespmem:s11], [sflag:$0x1] =	stream.indirect_vreg.gather [hbm4b:s6+s2], $0x80, v3, vm0, $0xb8;
	[tilespmem:$0x10080] =	vst v63  }
0xa3: {  	v3 =	vld [tilespmem:$0x20];
	_ =	sdelay $0x4  }
0xa4: {  	v62 =	vshll.u32 v3, $0x3  }
0xa5: {  	v3 =	vand.u32 $0x7, v3;
	v4 =	vand.u32 $0xFFFFFFC0, v62  }
0xa6: {  	v3 =	vor.u32 v3, v4  }
0xa7: {  	v4 =	vperm.xlane v3, v0;
	_ =	sdelay $0x1  }
0xa8: {  	v4 =	vadd.s32 v1, v4;
	_ =	sdelay $0x4  }
0xa9: {  	[tilespmem:s12], [sflag:$0x1] =	stream.indirect_vreg.gather [hbm4b:s3+s2], $0x80, v4, vm0, $0xb8;
	[tilespmem:$0x10080] =	vst v63  }
0xaa: {  	v3 =	vperm.xlane v3, v2  }
0xab: {  	[tilespmem:s13], [sflag:$0x1] =	stream.indirect_vreg.gather [hbm4b:s4+s2], $0x80, v4, vm0, $0xb8;
	[tilespmem:$0x10080] =	vst v63  }
0xac: {  	v3 =	vadd.s32 v1, v3  }
0xad: {  	[tilespmem:s14], [sflag:$0x1] =	stream.indirect_vreg.gather [hbm4b:s5+s2], $0x80, v4, vm0, $0xb8;
	[tilespmem:$0x10080] =	vst v63  }
0xae: {  	_ = 	snop  }
0xaf: {  	[tilespmem:s15], [sflag:$0x1] =	stream.indirect_vreg.gather [hbm4b:s6+s2], $0x80, v4, vm0, $0xb8;
	[tilespmem:$0x10080] =	vst v63  }
0xb0: {  	_ = 	snop  }
0xb1: {  	[tilespmem:s16], [sflag:$0x1] =	stream.indirect_vreg.gather [hbm4b:s3+s2], $0x80, v3, vm0, $0xb8;
	[tilespmem:$0x10080] =	vst v63  }
0xb2: {  	_ = 	snop  }
0xb3: {  	[tilespmem:s17], [sflag:$0x1] =	stream.indirect_vreg.gather [hbm4b:s4+s2], $0x80, v3, vm0, $0xb8;
	[tilespmem:$0x10080] =	vst v63  }
0xb4: {  	_ = 	snop  }
0xb5: {  	[tilespmem:s9], [sflag:$0x1] =	stream.indirect_vreg.gather [hbm4b:s5+s2], $0x80, v3, vm0, $0xb8;
	[tilespmem:$0x10080] =	vst v63  }
0xb6: {  	s19 =	simm.s32 $0xB880  }
0xb7: {  	[tilespmem:s19], [sflag:$0x1] =	stream.indirect_vreg.gather [hbm4b:s6+s2], $0x80, v3, vm0, $0xb8;
	[tilespmem:$0x10080] =	vst v63  }
0xb8: {  	v3 =	vld [tilespmem:$0x30];
	_ =	sdelay $0x4  }
0xb9: {  	v63 =	vshll.u32 v3, $0x3  }
0xba: {  	v3 =	vand.u32 $0x7, v3;
	v4 =	vand.u32 $0xFFFFFFC0, v63  }
0xbb: {  	v3 =	vor.u32 v3, v4  }
0xbc: {  	v4 =	vperm.xlane v3, v0;
	_ =	sdelay $0x1  }
0xbd: {  	v4 =	vadd.s32 v1, v4;
	_ =	sdelay $0x3  }
0xbe: {  	s19 =	simm.s32 $0xC080  }
0xbf: {  	[tilespmem:s19], [sflag:$0x1] =	stream.indirect_vreg.gather [hbm4b:s3+s2], $0x80, v4, vm0, $0xb8;
	[tilespmem:$0x10080] =	vst v63  }
0xc0: {  	v3 =	vperm.xlane v3, v2;
	s19 =	simm.s32 $0xC880  }
0xc1: {  	[tilespmem:s19], [sflag:$0x1] =	stream.indirect_vreg.gather [hbm4b:s4+s2], $0x80, v4, vm0, $0xb8;
	[tilespmem:$0x10080] =	vst v63  }
0xc2: {  	v3 =	vadd.s32 v1, v3;
	s19 =	simm.s32 $0xD080  }
0xc3: {  	[tilespmem:s19], [sflag:$0x1] =	stream.indirect_vreg.gather [hbm4b:s5+s2], $0x80, v4, vm0, $0xb8;
	[tilespmem:$0x10080] =	vst v63  }
0xc4: {  	s19 =	simm.s32 $0xD880  }
0xc5: {  	[tilespmem:s19], [sflag:$0x1] =	stream.indirect_vreg.gather [hbm4b:s6+s2], $0x80, v4, vm0, $0xb8;
	[tilespmem:$0x10080] =	vst v63  }
0xc6: {  	s19 =	simm.s32 $0xE080  }
0xc7: {  	[tilespmem:s19], [sflag:$0x1] =	stream.indirect_vreg.gather [hbm4b:s3+s2], $0x80, v3, vm0, $0xb8;
	[tilespmem:$0x10080] =	vst v63  }
0xc8: {  	s19 =	simm.s32 $0xE880  }
0xc9: {  	[tilespmem:s19], [sflag:$0x1] =	stream.indirect_vreg.gather [hbm4b:s4+s2], $0x80, v3, vm0, $0xb8;
	[tilespmem:$0x10080] =	vst v63  }
0xca: {  	s19 =	simm.s32 $0xF080  }
0xcb: {  	[tilespmem:s19], [sflag:$0x1] =	stream.indirect_vreg.gather [hbm4b:s5+s2], $0x80, v3, vm0, $0xb8;
	[tilespmem:$0x10080] =	vst v63  }
0xcc: {  	s19 =	simm.s32 $0xF880  }
0xcd: {  	[tilespmem:s19], [sflag:$0x1] =	stream.indirect_vreg.gather [hbm4b:s6+s2], $0x80, v3, vm0, $0xb8;
	[tilespmem:$0x10080] =	vst v63  }
0xce: {  	_ =	swait.ge [sflag:s18], $0x10000  }
0xcf: {  	p0 =	sne.s32 s7, $0x1;
	[sflag:s18] =	ssyncset.done $0x0  }
.Ltmp0:
0xd0: {  	s1 =	rddreg [dreg:$0x6];
	[sflag:s18] =	ssyncadd.s32 $0xFFFF0000;
	(pc) =	sbr.rel @p0 .LBB2_1-.Ltmp0, $4  }
0xd1: {  	[hbm4b:s1+s2] =	stream.linear.scatter [tilespmem:s0], [sflag:$0x2], $0x10000, $0x38;
	[tilespmem:$0x10080] =	vst v63  }
0xd2: {  	_ =	swait.ge [sflag:s8], $0x10000  }
0xd3: {  	[sflag:s8] =	ssyncset.done $0x0  }
0xd4: {  	s7 =	sadd.s32 $0xFFFFFFFF, s7;
	[sflag:s8] =	ssyncadd.s32 $0xFFFF0000  }
0xd5: {  	_ =	sfence.sel $0x180000  }
0xd6: {  	[bflag:$0x0] =	sbarrier.arrive $0xFFFF  }
0xd7: {  	_ =	strace $0x9000004A  }
0xd8: {  	s0 =	stileid.u32;
	[bflag:$0x2] =	sbarrier.arrive $0xFFFF  }
0xd9: {  	p0 =	sne.s32 s0, $0x0;
	s0 =	rddreg [dreg:$0x2]  }
0xda: {  	s0 =	sadd.s32 @!p0 $0x100000, s0  }
0xdb: {  	[sflag:s0] =	ssyncadd.tile.s32 @!p0 $0x1;
	_ =	shalt  }
.Lfunc_end2:
_tile_overlayer_lowered:
.L_overlay_start_2:
0xdc: {  	(tag) =	ssettag $0x2  }
0xdd: {  	s0 =	rddreg [dreg:$0x0];
	s2 =	stileid.u32  }
0xde: {  	s1 =	rddreg [dreg:$0x1];
	p0 =	sne.s32 s2, $0x0  }
0xdf: {  	s3 =	rddreg [dreg:$0x2];
	[bflag:$0x3] =	sbarrier.arrive $0xFFFF;
	s2 =	simm.s32 @!p0 $0x1C02  }
0xe0: {  	[timem:s3], [sflag:s2] =	dma.local @!p0 [hbm:s0], s1  }
0xe1: {  	s0 =	simm.s32 @!p0 $0x2  }
0xe2: {  	_ =	swait.ge @!p0 [sflag:s0], s1  }
0xe3: {  	s1 =	ssub.s32 @!p0 $0x0, s1;
	[sflag:s0] =	ssyncset.done @!p0 $0x0  }
0xe4: {  	[sflag:s0] =	ssyncadd.s32 @!p0 s1  }
0xe5: {  	[bflag:$0x3] =	sbarrier.arrive $0xFFFF  }
0xe6: {  	_ =	shalt  }

</sc_bundles>
